<compile_context>
chip_gen: v7x
topology: tpu7x:2x2x1
jax: 0.10.2.dev20260603
libtpu: 0.0.44.dev20260713+nightly
codegen_flags: <defaults>
</compile_context>

<pallas_src>
import functools

import jax
import jax.numpy as jnp
from jax import lax
from jax.experimental import pallas as pl
from jax.experimental.pallas import tpu as pltpu
from jax.experimental.pallas import tpu_sc as plsc

NC = 2
NS = 16
NW = NC * NS
LANES = 16

CHUNKS = ((0, 128), (128, 72))


def kernel(token_ids, table, pos_emb):
    B, S = token_ids.shape
    V, H = table.shape
    assert H == 4 * LANES and sum(c for _, c in CHUNKS) == S and S % 2 == 0
    seqs_per_w = B // NW
    nblocks = seqs_per_w
    assert nblocks % 2 == 0 and nblocks >= 6

    mesh = plsc.VectorSubcoreMesh(core_axis_name="c", subcore_axis_name="s")

    @functools.partial(
        pl.kernel,
        out_type=jax.ShapeDtypeStruct((B, S // 2, 2 * H), jnp.float32),
        mesh=mesh,
        compiler_params=pltpu.CompilerParams(use_tc_tiling_on_sc=False),
        scratch_types=[
            pltpu.VMEM((seqs_per_w, S), jnp.int32),
            pltpu.VMEM((S, H), jnp.float32),
            pltpu.VMEM((S, H), jnp.float32),
            pltpu.VMEM((S // 2, 2 * H), jnp.float32),
            pltpu.VMEM((S // 2, 2 * H), jnp.float32),
            pltpu.VMEM((S, H), jnp.float32),
            pltpu.SemaphoreType.DMA,
            pltpu.SemaphoreType.DMA,
            pltpu.SemaphoreType.DMA,
            pltpu.SemaphoreType.DMA,
        ],
    )
    def emb(idx_hbm, pos_hbm, table_hbm, out_hbm,
            idx_v, g0, g1, o0, o1, pos_v, gsem0, gsem1, wsem0, wsem1):
        gbufs = (g0, g1)
        obufs = (o0, o1)
        gsems = (gsem0, gsem1)
        wsems = (wsem0, wsem1)
        wid = lax.axis_index("s") * NC + lax.axis_index("c")
        base_seq = wid * seqs_per_w
        pltpu.sync_copy(pos_hbm, pos_v)
        pltpu.sync_copy(idx_hbm.at[pl.ds(base_seq, seqs_per_w)], idx_v)

        def issue_gather(g, b):
            for off, cnt in CHUNKS:
                pltpu.async_copy(
                    table_hbm.at[idx_v.at[g, pl.ds(off, cnt)]],
                    gbufs[b].at[pl.ds(off, cnt)],
                    gsems[b],
                )

        def wait_gather(b):
            pltpu.make_async_copy(
                table_hbm.at[pl.ds(0, S)], gbufs[b], gsems[b]).wait()

        def issue_write(g, b):
            pltpu.async_copy(obufs[b], out_hbm.at[base_seq + g], wsems[b])

        def wait_write(b):
            pltpu.make_async_copy(obufs[b], out_hbm.at[0], wsems[b]).wait()

        def compute(b):
            gbuf = gbufs[b]
            obuf = obufs[b]

            def pair_body(p, c):
                for e in range(2):
                    r = 2 * p + e
                    for q in range(H // LANES):
                        sl = pl.ds(q * LANES, LANES)
                        v = gbuf[r, sl] + pos_v[r, sl]
                        obuf[p, pl.ds(e * H + q * LANES, LANES)] = v
                return c

            lax.fori_loop(0, S // 2, pair_body, 0)

        def step(g, b, first, last):
            wait_gather(b)
            if not first:
                wait_write(b)
            compute(b)
            issue_write(g, b)
            if not last:
                issue_gather(g + 2, b)

        issue_gather(0, 0)
        issue_gather(1, 1)
        step(0, 0, True, False)
        step(1, 1, True, False)

        def pair(i, c):
            step(2 * i + 2, 0, False, False)
            step(2 * i + 3, 1, False, False)
            return c

        lax.fori_loop(0, (nblocks - 4) // 2, pair, 0)

        step(nblocks - 2, 0, False, True)
        step(nblocks - 1, 1, False, True)
        wait_write(0)
        wait_write(1)

    out3 = emb(token_ids, pos_emb, table)
    return out3.reshape(B, S, H)

# --- scband reference (transcript-rebuilt; emitter-appended) ---
"""Pipeline reference for scband-generic-embedder-68839735820741 (READ-ONLY COPY).

The authoritative reference and input builder live on the scoring server;
editing this copy changes nothing except your own understanding.
"""

import jax, jax.numpy as jnp
import numpy as np

VOCAB = 1000000
HIDDEN = 64
BATCH = 4096
SEQ = 200

def setup_inputs(seed: int = 0) -> dict:
    key = jax.random.key(seed)
    k_idx, k_tab, k_pos = jax.random.split(key, 3)
    token_ids = jax.random.randint(k_idx, (BATCH, SEQ), 0, VOCAB, dtype=jnp.int64 if jax.config.jax_enable_x64 else jnp.int32).astype(jnp.int32)
    table = jax.random.normal(k_tab, (VOCAB, HIDDEN), dtype=jnp.float32) * 0.02
    pos_emb = jax.random.normal(k_pos, (SEQ, HIDDEN), dtype=jnp.float32) * 0.02
    return {"token_ids": token_ids, "table": table, "pos_emb": pos_emb}

def reference(token_ids, table, pos_emb):
    # token_embedder: embedding lookup (gather)
    x = jnp.take(table, token_ids, axis=0)  # [B, S, H]
    # positional_encodings: learned positional embedding added per position
    x = x + pos_emb[None, :, :]
    return x

if __name__ == "__main__":
    import jax
    _d = setup_inputs()
    print(jax.jit(kernel)(*tuple(_d.values())))

</pallas_src>

<mosaic_0001>
#map = affine_map<(d0, d1) -> (0, 0)>
#map1 = affine_map<(d0, d1) -> (0, 0, 0)>
module attributes {stable_mosaic.version = 14 : i64} {
  func.func @emb(%arg0: i32, %arg1: i32, %arg2: memref<4096x200xi32, #tpu.memory_space<hbm>>, %arg3: memref<200x64xf32, #tpu.memory_space<hbm>>, %arg4: memref<1000000x64xf32, #tpu.memory_space<hbm>>, %arg5: memref<4096x100x128xf32, #tpu.memory_space<hbm>>, %arg6: memref<128x200xi32, #tpu.memory_space<vmem>>, %arg7: memref<200x64xf32, #tpu.memory_space<vmem>>, %arg8: memref<200x64xf32, #tpu.memory_space<vmem>>, %arg9: memref<100x128xf32, #tpu.memory_space<vmem>>, %arg10: memref<100x128xf32, #tpu.memory_space<vmem>>, %arg11: memref<200x64xf32, #tpu.memory_space<vmem>>, %arg12: memref<!tpu.dma_semaphore, #tpu.memory_space<semaphore_mem>>, %arg13: memref<!tpu.dma_semaphore, #tpu.memory_space<semaphore_mem>>, %arg14: memref<!tpu.dma_semaphore, #tpu.memory_space<semaphore_mem>>, %arg15: memref<!tpu.dma_semaphore, #tpu.memory_space<semaphore_mem>>) attributes {dimension_semantics = [#tpu.dimension_semantics<core_parallel>, #tpu.dimension_semantics<subcore_parallel>], iteration_bounds = array<i64: 2, 16>, scalar_prefetch = 0 : i64, scratch_operands = 10 : i64, tpu.core_type = #tpu.core_type<sc_vector_subcore>, window_params = [{transform_indices = #map}, {transform_indices = #map}, {transform_indices = #map}, {transform_indices = #map1}]} {
    %mul3A = arith.constant 2 : i32
    %mul3A_0 = arith.muli %arg1, %mul3A : i32
    %add3A = arith.addi %mul3A_0, %arg0 : i32
    %mul3A_1 = arith.constant 128 : i32
    %mul3A_2 = arith.muli %add3A, %mul3A_1 : i32
    "tpu.region"() ({
      %run_scoped3A = tpu.sem_alloc : memref<!tpu.dma_semaphore, #tpu.memory_space<semaphore_mem>>
      tpu.enqueue_dma source(%arg3 : memref<200x64xf32, #tpu.memory_space<hbm>>) target(%arg11 : memref<200x64xf32, #tpu.memory_space<vmem>>) target_semaphore(%run_scoped3A : memref<!tpu.dma_semaphore, #tpu.memory_space<semaphore_mem>>)
      tpu.wait_dma2 semaphore(%run_scoped3A : memref<!tpu.dma_semaphore, #tpu.memory_space<semaphore_mem>>) src(%arg3 : memref<200x64xf32, #tpu.memory_space<hbm>>) dst(%arg11 : memref<200x64xf32, #tpu.memory_space<vmem>>)
      tpu.yield
    }) : () -> ()
    "tpu.region"() ({
      %run_scoped3A = tpu.sem_alloc : memref<!tpu.dma_semaphore, #tpu.memory_space<semaphore_mem>>
      %dma_start3A_210 = arith.constant 0 : i32
      %dma_start3A_211 = tpu.memref_slice %arg2[%mul3A_2, %dma_start3A_210] : memref<4096x200xi32, #tpu.memory_space<hbm>> -> memref<128x200xi32, #tpu.memory_space<hbm>>
      %dma_start3A_212 = arith.constant 0 : i32
      %dma_start3A_213 = tpu.memref_slice %arg2[%mul3A_2, %dma_start3A_212] : memref<4096x200xi32, #tpu.memory_space<hbm>> -> memref<128x200xi32, #tpu.memory_space<hbm>>
      tpu.enqueue_dma source(%dma_start3A_213 : memref<128x200xi32, #tpu.memory_space<hbm>>) target(%arg6 : memref<128x200xi32, #tpu.memory_space<vmem>>) target_semaphore(%run_scoped3A : memref<!tpu.dma_semaphore, #tpu.memory_space<semaphore_mem>>)
      %dma_wait3A_214 = arith.constant 0 : i32
      %dma_wait3A_215 = tpu.memref_slice %arg2[%mul3A_2, %dma_wait3A_214] : memref<4096x200xi32, #tpu.memory_space<hbm>> -> memref<128x200xi32, #tpu.memory_space<hbm>>
      %dma_wait3A_216 = arith.constant 0 : i32
      %dma_wait3A_217 = tpu.memref_slice %arg2[%mul3A_2, %dma_wait3A_216] : memref<4096x200xi32, #tpu.memory_space<hbm>> -> memref<128x200xi32, #tpu.memory_space<hbm>>
      tpu.wait_dma2 semaphore(%run_scoped3A : memref<!tpu.dma_semaphore, #tpu.memory_space<semaphore_mem>>) src(%dma_wait3A_217 : memref<128x200xi32, #tpu.memory_space<hbm>>) dst(%arg6 : memref<128x200xi32, #tpu.memory_space<vmem>>)
      tpu.yield
    }) : () -> ()
    %dma_start3A = arith.constant 0 : i32
    %dma_start3A_3 = arith.constant 0 : i32
    %dma_start3A_4 = arith.constant 0 : i32
    %dma_start3A_5 = tpu.memref_slice %arg7[%dma_start3A_3, %dma_start3A_4] : memref<200x64xf32, #tpu.memory_space<vmem>> -> memref<128x64xf32, #tpu.memory_space<vmem>>
    %dma_start3A_6 = arith.constant 0 : i32
    %dma_start3A_7 = tpu.memref_slice %arg6[%dma_start3A, %dma_start3A_6] : memref<128x200xi32, #tpu.memory_space<vmem>> -> memref<1x128xi32, #tpu.memory_space<vmem>>
    %dma_start3A_8 = tpu.memref_squeeze %dma_start3A_7 : memref<1x128xi32, #tpu.memory_space<vmem>> -> memref<128xi32, #tpu.memory_space<vmem>>
    %dma_start3A_9 = arith.constant 0 : i32
    %dma_start3A_10 = arith.constant 0 : i32
    %dma_start3A_11 = tpu.memref_slice %arg4[%dma_start3A_9, %dma_start3A_10] : memref<1000000x64xf32, #tpu.memory_space<hbm>> -> memref<1000000x64xf32, #tpu.memory_space<hbm>>
    tpu.enqueue_indirect_dma source(%dma_start3A_11 : memref<1000000x64xf32, #tpu.memory_space<hbm>>) target(%dma_start3A_5 : memref<128x64xf32, #tpu.memory_space<vmem>>) offsets(%dma_start3A_8 : memref<128xi32, #tpu.memory_space<vmem>>) semaphore(%arg12 : memref<!tpu.dma_semaphore, #tpu.memory_space<semaphore_mem>>)
    %dma_start3A_12 = arith.constant 0 : i32
    %dma_start3A_13 = arith.constant 128 : i32
    %dma_start3A_14 = arith.constant 0 : i32
    %dma_start3A_15 = tpu.memref_slice %arg7[%dma_start3A_13, %dma_start3A_14] : memref<200x64xf32, #tpu.memory_space<vmem>> -> memref<72x64xf32, #tpu.memory_space<vmem>>
    %dma_start3A_16 = arith.constant 128 : i32
    %dma_start3A_17 = tpu.memref_slice %arg6[%dma_start3A_12, %dma_start3A_16] : memref<128x200xi32, #tpu.memory_space<vmem>> -> memref<1x72xi32, #tpu.memory_space<vmem>>
    %dma_start3A_18 = tpu.memref_squeeze %dma_start3A_17 : memref<1x72xi32, #tpu.memory_space<vmem>> -> memref<72xi32, #tpu.memory_space<vmem>>
    %dma_start3A_19 = arith.constant 0 : i32
    %dma_start3A_20 = arith.constant 0 : i32
    %dma_start3A_21 = tpu.memref_slice %arg4[%dma_start3A_19, %dma_start3A_20] : memref<1000000x64xf32, #tpu.memory_space<hbm>> -> memref<1000000x64xf32, #tpu.memory_space<hbm>>
    tpu.enqueue_indirect_dma source(%dma_start3A_21 : memref<1000000x64xf32, #tpu.memory_space<hbm>>) target(%dma_start3A_15 : memref<72x64xf32, #tpu.memory_space<vmem>>) offsets(%dma_start3A_18 : memref<72xi32, #tpu.memory_space<vmem>>) semaphore(%arg12 : memref<!tpu.dma_semaphore, #tpu.memory_space<semaphore_mem>>)
    %dma_start3A_22 = arith.constant 1 : i32
    %dma_start3A_23 = arith.constant 0 : i32
    %dma_start3A_24 = arith.constant 0 : i32
    %dma_start3A_25 = tpu.memref_slice %arg8[%dma_start3A_23, %dma_start3A_24] : memref<200x64xf32, #tpu.memory_space<vmem>> -> memref<128x64xf32, #tpu.memory_space<vmem>>
    %dma_start3A_26 = arith.constant 0 : i32
    %dma_start3A_27 = tpu.memref_slice %arg6[%dma_start3A_22, %dma_start3A_26] : memref<128x200xi32, #tpu.memory_space<vmem>> -> memref<1x128xi32, #tpu.memory_space<vmem>>
    %dma_start3A_28 = tpu.memref_squeeze %dma_start3A_27 : memref<1x128xi32, #tpu.memory_space<vmem>> -> memref<128xi32, #tpu.memory_space<vmem>>
    %dma_start3A_29 = arith.constant 0 : i32
    %dma_start3A_30 = arith.constant 0 : i32
    %dma_start3A_31 = tpu.memref_slice %arg4[%dma_start3A_29, %dma_start3A_30] : memref<1000000x64xf32, #tpu.memory_space<hbm>> -> memref<1000000x64xf32, #tpu.memory_space<hbm>>
    tpu.enqueue_indirect_dma source(%dma_start3A_31 : memref<1000000x64xf32, #tpu.memory_space<hbm>>) target(%dma_start3A_25 : memref<128x64xf32, #tpu.memory_space<vmem>>) offsets(%dma_start3A_28 : memref<128xi32, #tpu.memory_space<vmem>>) semaphore(%arg13 : memref<!tpu.dma_semaphore, #tpu.memory_space<semaphore_mem>>)
    %dma_start3A_32 = arith.constant 1 : i32
    %dma_start3A_33 = arith.constant 128 : i32
    %dma_start3A_34 = arith.constant 0 : i32
    %dma_start3A_35 = tpu.memref_slice %arg8[%dma_start3A_33, %dma_start3A_34] : memref<200x64xf32, #tpu.memory_space<vmem>> -> memref<72x64xf32, #tpu.memory_space<vmem>>
    %dma_start3A_36 = arith.constant 128 : i32
    %dma_start3A_37 = tpu.memref_slice %arg6[%dma_start3A_32, %dma_start3A_36] : memref<128x200xi32, #tpu.memory_space<vmem>> -> memref<1x72xi32, #tpu.memory_space<vmem>>
    %dma_start3A_38 = tpu.memref_squeeze %dma_start3A_37 : memref<1x72xi32, #tpu.memory_space<vmem>> -> memref<72xi32, #tpu.memory_space<vmem>>
    %dma_start3A_39 = arith.constant 0 : i32
    %dma_start3A_40 = arith.constant 0 : i32
    %dma_start3A_41 = tpu.memref_slice %arg4[%dma_start3A_39, %dma_start3A_40] : memref<1000000x64xf32, #tpu.memory_space<hbm>> -> memref<1000000x64xf32, #tpu.memory_space<hbm>>
    tpu.enqueue_indirect_dma source(%dma_start3A_41 : memref<1000000x64xf32, #tpu.memory_space<hbm>>) target(%dma_start3A_35 : memref<72x64xf32, #tpu.memory_space<vmem>>) offsets(%dma_start3A_38 : memref<72xi32, #tpu.memory_space<vmem>>) semaphore(%arg13 : memref<!tpu.dma_semaphore, #tpu.memory_space<semaphore_mem>>)
    %dma_wait3A = arith.constant 0 : i32
    %dma_wait3A_42 = arith.constant 0 : i32
    %dma_wait3A_43 = tpu.memref_slice %arg4[%dma_wait3A, %dma_wait3A_42] : memref<1000000x64xf32, #tpu.memory_space<hbm>> -> memref<200x64xf32, #tpu.memory_space<hbm>>
    %dma_wait3A_44 = arith.constant 0 : i32
    %dma_wait3A_45 = arith.constant 0 : i32
    %dma_wait3A_46 = tpu.memref_slice %arg4[%dma_wait3A_44, %dma_wait3A_45] : memref<1000000x64xf32, #tpu.memory_space<hbm>> -> memref<200x64xf32, #tpu.memory_space<hbm>>
    tpu.wait_dma2 semaphore(%arg12 : memref<!tpu.dma_semaphore, #tpu.memory_space<semaphore_mem>>) src(%dma_wait3A_46 : memref<200x64xf32, #tpu.memory_space<hbm>>) dst(%arg7 : memref<200x64xf32, #tpu.memory_space<vmem>>)
    %scan3A = arith.constant 0 : i32
    %scan3A_47 = arith.constant 0 : i32
    %scan3A_48 = arith.constant 100 : i32
    %scan3A_49 = arith.addi %scan3A_47, %scan3A_48 : i32
    %scan3A_50 = arith.constant 1 : i32
    scf.for %scan3A_210 = %scan3A_47 to %scan3A_49 step %scan3A_50  : i32 {
      %mul3A_211 = arith.constant 2 : i32
      %mul3A_212 = arith.muli %mul3A_211, %scan3A_210 : i32
      %add3A_213 = arith.constant 0 : i32
      %add3A_214 = arith.addi %mul3A_212, %add3A_213 : i32
      %get3A = arith.index_cast %add3A_214 : i32 to index
      %get3A_215 = arith.constant 0 : index
      %get3A_216 = tpu.vector_load %arg7[%get3A, %get3A_215] {strides = array<i32>} : memref<200x64xf32, #tpu.memory_space<vmem>>, vector<1x16xf32>,
      %get3A_217 = vector.shape_cast %get3A_216 : vector<1x16xf32> to vector<16xf32>
      %get3A_218 = arith.index_cast %add3A_214 : i32 to index
      %get3A_219 = arith.constant 0 : index
      %get3A_220 = tpu.vector_load %arg11[%get3A_218, %get3A_219] {strides = array<i32>} : memref<200x64xf32, #tpu.memory_space<vmem>>, vector<1x16xf32>,
      %get3A_221 = vector.shape_cast %get3A_220 : vector<1x16xf32> to vector<16xf32>
      %add3A_222 = arith.addf %get3A_217, %get3A_221 : vector<16xf32>
      %swap3A = arith.index_cast %scan3A_210 : i32 to index
      %swap3A_223 = arith.constant 0 : index
      %swap3A_224 = tpu.vector_load %arg9[%swap3A, %swap3A_223] {strides = array<i32>} : memref<100x128xf32, #tpu.memory_space<vmem>>, vector<1x16xf32>,
      %swap3A_225 = vector.shape_cast %swap3A_224 : vector<1x16xf32> to vector<16xf32>
      %swap3A_226 = vector.shape_cast %add3A_222 : vector<16xf32> to vector<1x16xf32>
      tpu.vector_store %arg9[%swap3A, %swap3A_223], %swap3A_226 {strides = array<i32>} : memref<100x128xf32, #tpu.memory_space<vmem>>, vector<1x16xf32>,
      %get3A_227 = arith.index_cast %add3A_214 : i32 to index
      %get3A_228 = arith.constant 16 : index
      %get3A_229 = tpu.vector_load %arg7[%get3A_227, %get3A_228] {strides = array<i32>} : memref<200x64xf32, #tpu.memory_space<vmem>>, vector<1x16xf32>,
      %get3A_230 = vector.shape_cast %get3A_229 : vector<1x16xf32> to vector<16xf32>
      %get3A_231 = arith.index_cast %add3A_214 : i32 to index
      %get3A_232 = arith.constant 16 : index
      %get3A_233 = tpu.vector_load %arg11[%get3A_231, %get3A_232] {strides = array<i32>} : memref<200x64xf32, #tpu.memory_space<vmem>>, vector<1x16xf32>,
      %get3A_234 = vector.shape_cast %get3A_233 : vector<1x16xf32> to vector<16xf32>
      %add3A_235 = arith.addf %get3A_230, %get3A_234 : vector<16xf32>
      %swap3A_236 = arith.index_cast %scan3A_210 : i32 to index
      %swap3A_237 = arith.constant 16 : index
      %swap3A_238 = tpu.vector_load %arg9[%swap3A_236, %swap3A_237] {strides = array<i32>} : memref<100x128xf32, #tpu.memory_space<vmem>>, vector<1x16xf32>,
      %swap3A_239 = vector.shape_cast %swap3A_238 : vector<1x16xf32> to vector<16xf32>
      %swap3A_240 = vector.shape_cast %add3A_235 : vector<16xf32> to vector<1x16xf32>
      tpu.vector_store %arg9[%swap3A_236, %swap3A_237], %swap3A_240 {strides = array<i32>} : memref<100x128xf32, #tpu.memory_space<vmem>>, vector<1x16xf32>,
      %get3A_241 = arith.index_cast %add3A_214 : i32 to index
      %get3A_242 = arith.constant 32 : index
      %get3A_243 = tpu.vector_load %arg7[%get3A_241, %get3A_242] {strides = array<i32>} : memref<200x64xf32, #tpu.memory_space<vmem>>, vector<1x16xf32>,
      %get3A_244 = vector.shape_cast %get3A_243 : vector<1x16xf32> to vector<16xf32>
      %get3A_245 = arith.index_cast %add3A_214 : i32 to index
      %get3A_246 = arith.constant 32 : index
      %get3A_247 = tpu.vector_load %arg11[%get3A_245, %get3A_246] {strides = array<i32>} : memref<200x64xf32, #tpu.memory_space<vmem>>, vector<1x16xf32>,
      %get3A_248 = vector.shape_cast %get3A_247 : vector<1x16xf32> to vector<16xf32>
      %add3A_249 = arith.addf %get3A_244, %get3A_248 : vector<16xf32>
      %swap3A_250 = arith.index_cast %scan3A_210 : i32 to index
      %swap3A_251 = arith.constant 32 : index
      %swap3A_252 = tpu.vector_load %arg9[%swap3A_250, %swap3A_251] {strides = array<i32>} : memref<100x128xf32, #tpu.memory_space<vmem>>, vector<1x16xf32>,
      %swap3A_253 = vector.shape_cast %swap3A_252 : vector<1x16xf32> to vector<16xf32>
      %swap3A_254 = vector.shape_cast %add3A_249 : vector<16xf32> to vector<1x16xf32>
      tpu.vector_store %arg9[%swap3A_250, %swap3A_251], %swap3A_254 {strides = array<i32>} : memref<100x128xf32, #tpu.memory_space<vmem>>, vector<1x16xf32>,
      %get3A_255 = arith.index_cast %add3A_214 : i32 to index
      %get3A_256 = arith.constant 48 : index
      %get3A_257 = tpu.vector_load %arg7[%get3A_255, %get3A_256] {strides = array<i32>} : memref<200x64xf32, #tpu.memory_space<vmem>>, vector<1x16xf32>,
      %get3A_258 = vector.shape_cast %get3A_257 : vector<1x16xf32> to vector<16xf32>
      %get3A_259 = arith.index_cast %add3A_214 : i32 to index
      %get3A_260 = arith.constant 48 : index
      %get3A_261 = tpu.vector_load %arg11[%get3A_259, %get3A_260] {strides = array<i32>} : memref<200x64xf32, #tpu.memory_space<vmem>>, vector<1x16xf32>,
      %get3A_262 = vector.shape_cast %get3A_261 : vector<1x16xf32> to vector<16xf32>
      %add3A_263 = arith.addf %get3A_258, %get3A_262 : vector<16xf32>
      %swap3A_264 = arith.index_cast %scan3A_210 : i32 to index
      %swap3A_265 = arith.constant 48 : index
      %swap3A_266 = tpu.vector_load %arg9[%swap3A_264, %swap3A_265] {strides = array<i32>} : memref<100x128xf32, #tpu.memory_space<vmem>>, vector<1x16xf32>,
      %swap3A_267 = vector.shape_cast %swap3A_266 : vector<1x16xf32> to vector<16xf32>
      %swap3A_268 = vector.shape_cast %add3A_263 : vector<16xf32> to vector<1x16xf32>
      tpu.vector_store %arg9[%swap3A_264, %swap3A_265], %swap3A_268 {strides = array<i32>} : memref<100x128xf32, #tpu.memory_space<vmem>>, vector<1x16xf32>,
      %mul3A_269 = arith.constant 2 : i32
      %mul3A_270 = arith.muli %mul3A_269, %scan3A_210 : i32
      %add3A_271 = arith.constant 1 : i32
      %add3A_272 = arith.addi %mul3A_270, %add3A_271 : i32
      %get3A_273 = arith.index_cast %add3A_272 : i32 to index
      %get3A_274 = arith.constant 0 : index
      %get3A_275 = tpu.vector_load %arg7[%get3A_273, %get3A_274] {strides = array<i32>} : memref<200x64xf32, #tpu.memory_space<vmem>>, vector<1x16xf32>,
      %get3A_276 = vector.shape_cast %get3A_275 : vector<1x16xf32> to vector<16xf32>
      %get3A_277 = arith.index_cast %add3A_272 : i32 to index
      %get3A_278 = arith.constant 0 : index
      %get3A_279 = tpu.vector_load %arg11[%get3A_277, %get3A_278] {strides = array<i32>} : memref<200x64xf32, #tpu.memory_space<vmem>>, vector<1x16xf32>,
      %get3A_280 = vector.shape_cast %get3A_279 : vector<1x16xf32> to vector<16xf32>
      %add3A_281 = arith.addf %get3A_276, %get3A_280 : vector<16xf32>
      %swap3A_282 = arith.index_cast %scan3A_210 : i32 to index
      %swap3A_283 = arith.constant 64 : index
      %swap3A_284 = tpu.vector_load %arg9[%swap3A_282, %swap3A_283] {strides = array<i32>} : memref<100x128xf32, #tpu.memory_space<vmem>>, vector<1x16xf32>,
      %swap3A_285 = vector.shape_cast %swap3A_284 : vector<1x16xf32> to vector<16xf32>
      %swap3A_286 = vector.shape_cast %add3A_281 : vector<16xf32> to vector<1x16xf32>
      tpu.vector_store %arg9[%swap3A_282, %swap3A_283], %swap3A_286 {strides = array<i32>} : memref<100x128xf32, #tpu.memory_space<vmem>>, vector<1x16xf32>,
      %get3A_287 = arith.index_cast %add3A_272 : i32 to index
      %get3A_288 = arith.constant 16 : index
      %get3A_289 = tpu.vector_load %arg7[%get3A_287, %get3A_288] {strides = array<i32>} : memref<200x64xf32, #tpu.memory_space<vmem>>, vector<1x16xf32>,
      %get3A_290 = vector.shape_cast %get3A_289 : vector<1x16xf32> to vector<16xf32>
      %get3A_291 = arith.index_cast %add3A_272 : i32 to index
      %get3A_292 = arith.constant 16 : index
      %get3A_293 = tpu.vector_load %arg11[%get3A_291, %get3A_292] {strides = array<i32>} : memref<200x64xf32, #tpu.memory_space<vmem>>, vector<1x16xf32>,
      %get3A_294 = vector.shape_cast %get3A_293 : vector<1x16xf32> to vector<16xf32>
      %add3A_295 = arith.addf %get3A_290, %get3A_294 : vector<16xf32>
      %swap3A_296 = arith.index_cast %scan3A_210 : i32 to index
      %swap3A_297 = arith.constant 80 : index
      %swap3A_298 = tpu.vector_load %arg9[%swap3A_296, %swap3A_297] {strides = array<i32>} : memref<100x128xf32, #tpu.memory_space<vmem>>, vector<1x16xf32>,
      %swap3A_299 = vector.shape_cast %swap3A_298 : vector<1x16xf32> to vector<16xf32>
      %swap3A_300 = vector.shape_cast %add3A_295 : vector<16xf32> to vector<1x16xf32>
      tpu.vector_store %arg9[%swap3A_296, %swap3A_297], %swap3A_300 {strides = array<i32>} : memref<100x128xf32, #tpu.memory_space<vmem>>, vector<1x16xf32>,
      %get3A_301 = arith.index_cast %add3A_272 : i32 to index
      %get3A_302 = arith.constant 32 : index
      %get3A_303 = tpu.vector_load %arg7[%get3A_301, %get3A_302] {strides = array<i32>} : memref<200x64xf32, #tpu.memory_space<vmem>>, vector<1x16xf32>,
      %get3A_304 = vector.shape_cast %get3A_303 : vector<1x16xf32> to vector<16xf32>
      %get3A_305 = arith.index_cast %add3A_272 : i32 to index
      %get3A_306 = arith.constant 32 : index
      %get3A_307 = tpu.vector_load %arg11[%get3A_305, %get3A_306] {strides = array<i32>} : memref<200x64xf32, #tpu.memory_space<vmem>>, vector<1x16xf32>,
      %get3A_308 = vector.shape_cast %get3A_307 : vector<1x16xf32> to vector<16xf32>
      %add3A_309 = arith.addf %get3A_304, %get3A_308 : vector<16xf32>
      %swap3A_310 = arith.index_cast %scan3A_210 : i32 to index
      %swap3A_311 = arith.constant 96 : index
      %swap3A_312 = tpu.vector_load %arg9[%swap3A_310, %swap3A_311] {strides = array<i32>} : memref<100x128xf32, #tpu.memory_space<vmem>>, vector<1x16xf32>,
      %swap3A_313 = vector.shape_cast %swap3A_312 : vector<1x16xf32> to vector<16xf32>
      %swap3A_314 = vector.shape_cast %add3A_309 : vector<16xf32> to vector<1x16xf32>
      tpu.vector_store %arg9[%swap3A_310, %swap3A_311], %swap3A_314 {strides = array<i32>} : memref<100x128xf32, #tpu.memory_space<vmem>>, vector<1x16xf32>,
      %get3A_315 = arith.index_cast %add3A_272 : i32 to index
      %get3A_316 = arith.constant 48 : index
      %get3A_317 = tpu.vector_load %arg7[%get3A_315, %get3A_316] {strides = array<i32>} : memref<200x64xf32, #tpu.memory_space<vmem>>, vector<1x16xf32>,
      %get3A_318 = vector.shape_cast %get3A_317 : vector<1x16xf32> to vector<16xf32>
      %get3A_319 = arith.index_cast %add3A_272 : i32 to index
      %get3A_320 = arith.constant 48 : index
      %get3A_321 = tpu.vector_load %arg11[%get3A_319, %get3A_320] {strides = array<i32>} : memref<200x64xf32, #tpu.memory_space<vmem>>, vector<1x16xf32>,
      %get3A_322 = vector.shape_cast %get3A_321 : vector<1x16xf32> to vector<16xf32>
      %add3A_323 = arith.addf %get3A_318, %get3A_322 : vector<16xf32>
      %swap3A_324 = arith.index_cast %scan3A_210 : i32 to index
      %swap3A_325 = arith.constant 112 : index
      %swap3A_326 = tpu.vector_load %arg9[%swap3A_324, %swap3A_325] {strides = array<i32>} : memref<100x128xf32, #tpu.memory_space<vmem>>, vector<1x16xf32>,
      %swap3A_327 = vector.shape_cast %swap3A_326 : vector<1x16xf32> to vector<16xf32>
      %swap3A_328 = vector.shape_cast %add3A_323 : vector<16xf32> to vector<1x16xf32>
      tpu.vector_store %arg9[%swap3A_324, %swap3A_325], %swap3A_328 {strides = array<i32>} : memref<100x128xf32, #tpu.memory_space<vmem>>, vector<1x16xf32>,
    }
    %scan3A_51 = arith.constant 100 : i32
    %add3A_52 = arith.constant 0 : i32
    %add3A_53 = arith.addi %mul3A_2, %add3A_52 : i32
    %dma_start3A_54 = arith.constant 0 : i32
    %dma_start3A_55 = arith.constant 0 : i32
    %dma_start3A_56 = tpu.memref_slice %arg5[%add3A_53, %dma_start3A_54, %dma_start3A_55] : memref<4096x100x128xf32, #tpu.memory_space<hbm>> -> memref<1x100x128xf32, #tpu.memory_space<hbm>>
    %dma_start3A_57 = tpu.memref_squeeze %dma_start3A_56 : memref<1x100x128xf32, #tpu.memory_space<hbm>> -> memref<100x128xf32, #tpu.memory_space<hbm>>
    %dma_start3A_58 = arith.constant 0 : i32
    %dma_start3A_59 = arith.constant 0 : i32
    %dma_start3A_60 = tpu.memref_slice %arg5[%add3A_53, %dma_start3A_58, %dma_start3A_59] : memref<4096x100x128xf32, #tpu.memory_space<hbm>> -> memref<1x100x128xf32, #tpu.memory_space<hbm>>
    %dma_start3A_61 = tpu.memref_squeeze %dma_start3A_60 : memref<1x100x128xf32, #tpu.memory_space<hbm>> -> memref<100x128xf32, #tpu.memory_space<hbm>>
    tpu.enqueue_dma source(%arg9 : memref<100x128xf32, #tpu.memory_space<vmem>>) target(%dma_start3A_61 : memref<100x128xf32, #tpu.memory_space<hbm>>) target_semaphore(%arg14 : memref<!tpu.dma_semaphore, #tpu.memory_space<semaphore_mem>>)
    %dma_start3A_62 = arith.constant 2 : i32
    %dma_start3A_63 = arith.constant 0 : i32
    %dma_start3A_64 = arith.constant 0 : i32
    %dma_start3A_65 = tpu.memref_slice %arg7[%dma_start3A_63, %dma_start3A_64] : memref<200x64xf32, #tpu.memory_space<vmem>> -> memref<128x64xf32, #tpu.memory_space<vmem>>
    %dma_start3A_66 = arith.constant 0 : i32
    %dma_start3A_67 = tpu.memref_slice %arg6[%dma_start3A_62, %dma_start3A_66] : memref<128x200xi32, #tpu.memory_space<vmem>> -> memref<1x128xi32, #tpu.memory_space<vmem>>
    %dma_start3A_68 = tpu.memref_squeeze %dma_start3A_67 : memref<1x128xi32, #tpu.memory_space<vmem>> -> memref<128xi32, #tpu.memory_space<vmem>>
    %dma_start3A_69 = arith.constant 0 : i32
    %dma_start3A_70 = arith.constant 0 : i32
    %dma_start3A_71 = tpu.memref_slice %arg4[%dma_start3A_69, %dma_start3A_70] : memref<1000000x64xf32, #tpu.memory_space<hbm>> -> memref<1000000x64xf32, #tpu.memory_space<hbm>>
    tpu.enqueue_indirect_dma source(%dma_start3A_71 : memref<1000000x64xf32, #tpu.memory_space<hbm>>) target(%dma_start3A_65 : memref<128x64xf32, #tpu.memory_space<vmem>>) offsets(%dma_start3A_68 : memref<128xi32, #tpu.memory_space<vmem>>) semaphore(%arg12 : memref<!tpu.dma_semaphore, #tpu.memory_space<semaphore_mem>>)
    %dma_start3A_72 = arith.constant 2 : i32
    %dma_start3A_73 = arith.constant 128 : i32
    %dma_start3A_74 = arith.constant 0 : i32
    %dma_start3A_75 = tpu.memref_slice %arg7[%dma_start3A_73, %dma_start3A_74] : memref<200x64xf32, #tpu.memory_space<vmem>> -> memref<72x64xf32, #tpu.memory_space<vmem>>
    %dma_start3A_76 = arith.constant 128 : i32
    %dma_start3A_77 = tpu.memref_slice %arg6[%dma_start3A_72, %dma_start3A_76] : memref<128x200xi32, #tpu.memory_space<vmem>> -> memref<1x72xi32, #tpu.memory_space<vmem>>
    %dma_start3A_78 = tpu.memref_squeeze %dma_start3A_77 : memref<1x72xi32, #tpu.memory_space<vmem>> -> memref<72xi32, #tpu.memory_space<vmem>>
    %dma_start3A_79 = arith.constant 0 : i32
    %dma_start3A_80 = arith.constant 0 : i32
    %dma_start3A_81 = tpu.memref_slice %arg4[%dma_start3A_79, %dma_start3A_80] : memref<1000000x64xf32, #tpu.memory_space<hbm>> -> memref<1000000x64xf32, #tpu.memory_space<hbm>>
    tpu.enqueue_indirect_dma source(%dma_start3A_81 : memref<1000000x64xf32, #tpu.memory_space<hbm>>) target(%dma_start3A_75 : memref<72x64xf32, #tpu.memory_space<vmem>>) offsets(%dma_start3A_78 : memref<72xi32, #tpu.memory_space<vmem>>) semaphore(%arg12 : memref<!tpu.dma_semaphore, #tpu.memory_space<semaphore_mem>>)
    %dma_wait3A_82 = arith.constant 0 : i32
    %dma_wait3A_83 = arith.constant 0 : i32
    %dma_wait3A_84 = tpu.memref_slice %arg4[%dma_wait3A_82, %dma_wait3A_83] : memref<1000000x64xf32, #tpu.memory_space<hbm>> -> memref<200x64xf32, #tpu.memory_space<hbm>>
    %dma_wait3A_85 = arith.constant 0 : i32
    %dma_wait3A_86 = arith.constant 0 : i32
    %dma_wait3A_87 = tpu.memref_slice %arg4[%dma_wait3A_85, %dma_wait3A_86] : memref<1000000x64xf32, #tpu.memory_space<hbm>> -> memref<200x64xf32, #tpu.memory_space<hbm>>
    tpu.wait_dma2 semaphore(%arg13 : memref<!tpu.dma_semaphore, #tpu.memory_space<semaphore_mem>>) src(%dma_wait3A_87 : memref<200x64xf32, #tpu.memory_space<hbm>>) dst(%arg8 : memref<200x64xf32, #tpu.memory_space<vmem>>)
    %scan3A_88 = arith.constant 0 : i32
    %scan3A_89 = arith.constant 0 : i32
    %scan3A_90 = arith.constant 100 : i32
    %scan3A_91 = arith.addi %scan3A_89, %scan3A_90 : i32
    %scan3A_92 = arith.constant 1 : i32
    scf.for %scan3A_210 = %scan3A_89 to %scan3A_91 step %scan3A_92  : i32 {
      %mul3A_211 = arith.constant 2 : i32
      %mul3A_212 = arith.muli %mul3A_211, %scan3A_210 : i32
      %add3A_213 = arith.constant 0 : i32
      %add3A_214 = arith.addi %mul3A_212, %add3A_213 : i32
      %get3A = arith.index_cast %add3A_214 : i32 to index
      %get3A_215 = arith.constant 0 : index
      %get3A_216 = tpu.vector_load %arg8[%get3A, %get3A_215] {strides = array<i32>} : memref<200x64xf32, #tpu.memory_space<vmem>>, vector<1x16xf32>,
      %get3A_217 = vector.shape_cast %get3A_216 : vector<1x16xf32> to vector<16xf32>
      %get3A_218 = arith.index_cast %add3A_214 : i32 to index
      %get3A_219 = arith.constant 0 : index
      %get3A_220 = tpu.vector_load %arg11[%get3A_218, %get3A_219] {strides = array<i32>} : memref<200x64xf32, #tpu.memory_space<vmem>>, vector<1x16xf32>,
      %get3A_221 = vector.shape_cast %get3A_220 : vector<1x16xf32> to vector<16xf32>
      %add3A_222 = arith.addf %get3A_217, %get3A_221 : vector<16xf32>
      %swap3A = arith.index_cast %scan3A_210 : i32 to index
      %swap3A_223 = arith.constant 0 : index
      %swap3A_224 = tpu.vector_load %arg10[%swap3A, %swap3A_223] {strides = array<i32>} : memref<100x128xf32, #tpu.memory_space<vmem>>, vector<1x16xf32>,
      %swap3A_225 = vector.shape_cast %swap3A_224 : vector<1x16xf32> to vector<16xf32>
      %swap3A_226 = vector.shape_cast %add3A_222 : vector<16xf32> to vector<1x16xf32>
      tpu.vector_store %arg10[%swap3A, %swap3A_223], %swap3A_226 {strides = array<i32>} : memref<100x128xf32, #tpu.memory_space<vmem>>, vector<1x16xf32>,
      %get3A_227 = arith.index_cast %add3A_214 : i32 to index
      %get3A_228 = arith.constant 16 : index
      %get3A_229 = tpu.vector_load %arg8[%get3A_227, %get3A_228] {strides = array<i32>} : memref<200x64xf32, #tpu.memory_space<vmem>>, vector<1x16xf32>,
      %get3A_230 = vector.shape_cast %get3A_229 : vector<1x16xf32> to vector<16xf32>
      %get3A_231 = arith.index_cast %add3A_214 : i32 to index
      %get3A_232 = arith.constant 16 : index
      %get3A_233 = tpu.vector_load %arg11[%get3A_231, %get3A_232] {strides = array<i32>} : memref<200x64xf32, #tpu.memory_space<vmem>>, vector<1x16xf32>,
      %get3A_234 = vector.shape_cast %get3A_233 : vector<1x16xf32> to vector<16xf32>
      %add3A_235 = arith.addf %get3A_230, %get3A_234 : vector<16xf32>
      %swap3A_236 = arith.index_cast %scan3A_210 : i32 to index
      %swap3A_237 = arith.constant 16 : index
      %swap3A_238 = tpu.vector_load %arg10[%swap3A_236, %swap3A_237] {strides = array<i32>} : memref<100x128xf32, #tpu.memory_space<vmem>>, vector<1x16xf32>,
      %swap3A_239 = vector.shape_cast %swap3A_238 : vector<1x16xf32> to vector<16xf32>
      %swap3A_240 = vector.shape_cast %add3A_235 : vector<16xf32> to vector<1x16xf32>
      tpu.vector_store %arg10[%swap3A_236, %swap3A_237], %swap3A_240 {strides = array<i32>} : memref<100x128xf32, #tpu.memory_space<vmem>>, vector<1x16xf32>,
      %get3A_241 = arith.index_cast %add3A_214 : i32 to index
      %get3A_242 = arith.constant 32 : index
      %get3A_243 = tpu.vector_load %arg8[%get3A_241, %get3A_242] {strides = array<i32>} : memref<200x64xf32, #tpu.memory_space<vmem>>, vector<1x16xf32>,
      %get3A_244 = vector.shape_cast %get3A_243 : vector<1x16xf32> to vector<16xf32>
      %get3A_245 = arith.index_cast %add3A_214 : i32 to index
      %get3A_246 = arith.constant 32 : index
      %get3A_247 = tpu.vector_load %arg11[%get3A_245, %get3A_246] {strides = array<i32>} : memref<200x64xf32, #tpu.memory_space<vmem>>, vector<1x16xf32>,
      %get3A_248 = vector.shape_cast %get3A_247 : vector<1x16xf32> to vector<16xf32>
      %add3A_249 = arith.addf %get3A_244, %get3A_248 : vector<16xf32>
      %swap3A_250 = arith.index_cast %scan3A_210 : i32 to index
      %swap3A_251 = arith.constant 32 : index
      %swap3A_252 = tpu.vector_load %arg10[%swap3A_250, %swap3A_251] {strides = array<i32>} : memref<100x128xf32, #tpu.memory_space<vmem>>, vector<1x16xf32>,
      %swap3A_253 = vector.shape_cast %swap3A_252 : vector<1x16xf32> to vector<16xf32>
      %swap3A_254 = vector.shape_cast %add3A_249 : vector<16xf32> to vector<1x16xf32>
      tpu.vector_store %arg10[%swap3A_250, %swap3A_251], %swap3A_254 {strides = array<i32>} : memref<100x128xf32, #tpu.memory_space<vmem>>, vector<1x16xf32>,
      %get3A_255 = arith.index_cast %add3A_214 : i32 to index
      %get3A_256 = arith.constant 48 : index
      %get3A_257 = tpu.vector_load %arg8[%get3A_255, %get3A_256] {strides = array<i32>} : memref<200x64xf32, #tpu.memory_space<vmem>>, vector<1x16xf32>,
      %get3A_258 = vector.shape_cast %get3A_257 : vector<1x16xf32> to vector<16xf32>
      %get3A_259 = arith.index_cast %add3A_214 : i32 to index
      %get3A_260 = arith.constant 48 : index
      %get3A_261 = tpu.vector_load %arg11[%get3A_259, %get3A_260] {strides = array<i32>} : memref<200x64xf32, #tpu.memory_space<vmem>>, vector<1x16xf32>,
      %get3A_262 = vector.shape_cast %get3A_261 : vector<1x16xf32> to vector<16xf32>
      %add3A_263 = arith.addf %get3A_258, %get3A_262 : vector<16xf32>
      %swap3A_264 = arith.index_cast %scan3A_210 : i32 to index
      %swap3A_265 = arith.constant 48 : index
      %swap3A_266 = tpu.vector_load %arg10[%swap3A_264, %swap3A_265] {strides = array<i32>} : memref<100x128xf32, #tpu.memory_space<vmem>>, vector<1x16xf32>,
      %swap3A_267 = vector.shape_cast %swap3A_266 : vector<1x16xf32> to vector<16xf32>
      %swap3A_268 = vector.shape_cast %add3A_263 : vector<16xf32> to vector<1x16xf32>
      tpu.vector_store %arg10[%swap3A_264, %swap3A_265], %swap3A_268 {strides = array<i32>} : memref<100x128xf32, #tpu.memory_space<vmem>>, vector<1x16xf32>,
      %mul3A_269 = arith.constant 2 : i32
      %mul3A_270 = arith.muli %mul3A_269, %scan3A_210 : i32
      %add3A_271 = arith.constant 1 : i32
      %add3A_272 = arith.addi %mul3A_270, %add3A_271 : i32
      %get3A_273 = arith.index_cast %add3A_272 : i32 to index
      %get3A_274 = arith.constant 0 : index
      %get3A_275 = tpu.vector_load %arg8[%get3A_273, %get3A_274] {strides = array<i32>} : memref<200x64xf32, #tpu.memory_space<vmem>>, vector<1x16xf32>,
      %get3A_276 = vector.shape_cast %get3A_275 : vector<1x16xf32> to vector<16xf32>
      %get3A_277 = arith.index_cast %add3A_272 : i32 to index
      %get3A_278 = arith.constant 0 : index
      %get3A_279 = tpu.vector_load %arg11[%get3A_277, %get3A_278] {strides = array<i32>} : memref<200x64xf32, #tpu.memory_space<vmem>>, vector<1x16xf32>,
      %get3A_280 = vector.shape_cast %get3A_279 : vector<1x16xf32> to vector<16xf32>
      %add3A_281 = arith.addf %get3A_276, %get3A_280 : vector<16xf32>
      %swap3A_282 = arith.index_cast %scan3A_210 : i32 to index
      %swap3A_283 = arith.constant 64 : index
      %swap3A_284 = tpu.vector_load %arg10[%swap3A_282, %swap3A_283] {strides = array<i32>} : memref<100x128xf32, #tpu.memory_space<vmem>>, vector<1x16xf32>,
      %swap3A_285 = vector.shape_cast %swap3A_284 : vector<1x16xf32> to vector<16xf32>
      %swap3A_286 = vector.shape_cast %add3A_281 : vector<16xf32> to vector<1x16xf32>
      tpu.vector_store %arg10[%swap3A_282, %swap3A_283], %swap3A_286 {strides = array<i32>} : memref<100x128xf32, #tpu.memory_space<vmem>>, vector<1x16xf32>,
      %get3A_287 = arith.index_cast %add3A_272 : i32 to index
      %get3A_288 = arith.constant 16 : index
      %get3A_289 = tpu.vector_load %arg8[%get3A_287, %get3A_288] {strides = array<i32>} : memref<200x64xf32, #tpu.memory_space<vmem>>, vector<1x16xf32>,
      %get3A_290 = vector.shape_cast %get3A_289 : vector<1x16xf32> to vector<16xf32>
      %get3A_291 = arith.index_cast %add3A_272 : i32 to index
      %get3A_292 = arith.constant 16 : index
      %get3A_293 = tpu.vector_load %arg11[%get3A_291, %get3A_292] {strides = array<i32>} : memref<200x64xf32, #tpu.memory_space<vmem>>, vector<1x16xf32>,
      %get3A_294 = vector.shape_cast %get3A_293 : vector<1x16xf32> to vector<16xf32>
      %add3A_295 = arith.addf %get3A_290, %get3A_294 : vector<16xf32>
      %swap3A_296 = arith.index_cast %scan3A_210 : i32 to index
      %swap3A_297 = arith.constant 80 : index
      %swap3A_298 = tpu.vector_load %arg10[%swap3A_296, %swap3A_297] {strides = array<i32>} : memref<100x128xf32, #tpu.memory_space<vmem>>, vector<1x16xf32>,
      %swap3A_299 = vector.shape_cast %swap3A_298 : vector<1x16xf32> to vector<16xf32>
      %swap3A_300 = vector.shape_cast %add3A_295 : vector<16xf32> to vector<1x16xf32>
      tpu.vector_store %arg10[%swap3A_296, %swap3A_297], %swap3A_300 {strides = array<i32>} : memref<100x128xf32, #tpu.memory_space<vmem>>, vector<1x16xf32>,
      %get3A_301 = arith.index_cast %add3A_272 : i32 to index
      %get3A_302 = arith.constant 32 : index
      %get3A_303 = tpu.vector_load %arg8[%get3A_301, %get3A_302] {strides = array<i32>} : memref<200x64xf32, #tpu.memory_space<vmem>>, vector<1x16xf32>,
      %get3A_304 = vector.shape_cast %get3A_303 : vector<1x16xf32> to vector<16xf32>
      %get3A_305 = arith.index_cast %add3A_272 : i32 to index
      %get3A_306 = arith.constant 32 : index
      %get3A_307 = tpu.vector_load %arg11[%get3A_305, %get3A_306] {strides = array<i32>} : memref<200x64xf32, #tpu.memory_space<vmem>>, vector<1x16xf32>,
      %get3A_308 = vector.shape_cast %get3A_307 : vector<1x16xf32> to vector<16xf32>
      %add3A_309 = arith.addf %get3A_304, %get3A_308 : vector<16xf32>
      %swap3A_310 = arith.index_cast %scan3A_210 : i32 to index
      %swap3A_311 = arith.constant 96 : index
      %swap3A_312 = tpu.vector_load %arg10[%swap3A_310, %swap3A_311] {strides = array<i32>} : memref<100x128xf32, #tpu.memory_space<vmem>>, vector<1x16xf32>,
      %swap3A_313 = vector.shape_cast %swap3A_312 : vector<1x16xf32> to vector<16xf32>
      %swap3A_314 = vector.shape_cast %add3A_309 : vector<16xf32> to vector<1x16xf32>
      tpu.vector_store %arg10[%swap3A_310, %swap3A_311], %swap3A_314 {strides = array<i32>} : memref<100x128xf32, #tpu.memory_space<vmem>>, vector<1x16xf32>,
      %get3A_315 = arith.index_cast %add3A_272 : i32 to index
      %get3A_316 = arith.constant 48 : index
      %get3A_317 = tpu.vector_load %arg8[%get3A_315, %get3A_316] {strides = array<i32>} : memref<200x64xf32, #tpu.memory_space<vmem>>, vector<1x16xf32>,
      %get3A_318 = vector.shape_cast %get3A_317 : vector<1x16xf32> to vector<16xf32>
      %get3A_319 = arith.index_cast %add3A_272 : i32 to index
      %get3A_320 = arith.constant 48 : index
      %get3A_321 = tpu.vector_load %arg11[%get3A_319, %get3A_320] {strides = array<i32>} : memref<200x64xf32, #tpu.memory_space<vmem>>, vector<1x16xf32>,
      %get3A_322 = vector.shape_cast %get3A_321 : vector<1x16xf32> to vector<16xf32>
      %add3A_323 = arith.addf %get3A_318, %get3A_322 : vector<16xf32>
      %swap3A_324 = arith.index_cast %scan3A_210 : i32 to index
      %swap3A_325 = arith.constant 112 : index
      %swap3A_326 = tpu.vector_load %arg10[%swap3A_324, %swap3A_325] {strides = array<i32>} : memref<100x128xf32, #tpu.memory_space<vmem>>, vector<1x16xf32>,
      %swap3A_327 = vector.shape_cast %swap3A_326 : vector<1x16xf32> to vector<16xf32>
      %swap3A_328 = vector.shape_cast %add3A_323 : vector<16xf32> to vector<1x16xf32>
      tpu.vector_store %arg10[%swap3A_324, %swap3A_325], %swap3A_328 {strides = array<i32>} : memref<100x128xf32, #tpu.memory_space<vmem>>, vector<1x16xf32>,
    }
    %scan3A_93 = arith.constant 100 : i32
    %add3A_94 = arith.constant 1 : i32
    %add3A_95 = arith.addi %mul3A_2, %add3A_94 : i32
    %dma_start3A_96 = arith.constant 0 : i32
    %dma_start3A_97 = arith.constant 0 : i32
    %dma_start3A_98 = tpu.memref_slice %arg5[%add3A_95, %dma_start3A_96, %dma_start3A_97] : memref<4096x100x128xf32, #tpu.memory_space<hbm>> -> memref<1x100x128xf32, #tpu.memory_space<hbm>>
    %dma_start3A_99 = tpu.memref_squeeze %dma_start3A_98 : memref<1x100x128xf32, #tpu.memory_space<hbm>> -> memref<100x128xf32, #tpu.memory_space<hbm>>
    %dma_start3A_100 = arith.constant 0 : i32
    %dma_start3A_101 = arith.constant 0 : i32
    %dma_start3A_102 = tpu.memref_slice %arg5[%add3A_95, %dma_start3A_100, %dma_start3A_101] : memref<4096x100x128xf32, #tpu.memory_space<hbm>> -> memref<1x100x128xf32, #tpu.memory_space<hbm>>
    %dma_start3A_103 = tpu.memref_squeeze %dma_start3A_102 : memref<1x100x128xf32, #tpu.memory_space<hbm>> -> memref<100x128xf32, #tpu.memory_space<hbm>>
    tpu.enqueue_dma source(%arg10 : memref<100x128xf32, #tpu.memory_space<vmem>>) target(%dma_start3A_103 : memref<100x128xf32, #tpu.memory_space<hbm>>) target_semaphore(%arg15 : memref<!tpu.dma_semaphore, #tpu.memory_space<semaphore_mem>>)
    %dma_start3A_104 = arith.constant 3 : i32
    %dma_start3A_105 = arith.constant 0 : i32
    %dma_start3A_106 = arith.constant 0 : i32
    %dma_start3A_107 = tpu.memref_slice %arg8[%dma_start3A_105, %dma_start3A_106] : memref<200x64xf32, #tpu.memory_space<vmem>> -> memref<128x64xf32, #tpu.memory_space<vmem>>
    %dma_start3A_108 = arith.constant 0 : i32
    %dma_start3A_109 = tpu.memref_slice %arg6[%dma_start3A_104, %dma_start3A_108] : memref<128x200xi32, #tpu.memory_space<vmem>> -> memref<1x128xi32, #tpu.memory_space<vmem>>
    %dma_start3A_110 = tpu.memref_squeeze %dma_start3A_109 : memref<1x128xi32, #tpu.memory_space<vmem>> -> memref<128xi32, #tpu.memory_space<vmem>>
    %dma_start3A_111 = arith.constant 0 : i32
    %dma_start3A_112 = arith.constant 0 : i32
    %dma_start3A_113 = tpu.memref_slice %arg4[%dma_start3A_111, %dma_start3A_112] : memref<1000000x64xf32, #tpu.memory_space<hbm>> -> memref<1000000x64xf32, #tpu.memory_space<hbm>>
    tpu.enqueue_indirect_dma source(%dma_start3A_113 : memref<1000000x64xf32, #tpu.memory_space<hbm>>) target(%dma_start3A_107 : memref<128x64xf32, #tpu.memory_space<vmem>>) offsets(%dma_start3A_110 : memref<128xi32, #tpu.memory_space<vmem>>) semaphore(%arg13 : memref<!tpu.dma_semaphore, #tpu.memory_space<semaphore_mem>>)
    %dma_start3A_114 = arith.constant 3 : i32
    %dma_start3A_115 = arith.constant 128 : i32
    %dma_start3A_116 = arith.constant 0 : i32
    %dma_start3A_117 = tpu.memref_slice %arg8[%dma_start3A_115, %dma_start3A_116] : memref<200x64xf32, #tpu.memory_space<vmem>> -> memref<72x64xf32, #tpu.memory_space<vmem>>
    %dma_start3A_118 = arith.constant 128 : i32
    %dma_start3A_119 = tpu.memref_slice %arg6[%dma_start3A_114, %dma_start3A_118] : memref<128x200xi32, #tpu.memory_space<vmem>> -> memref<1x72xi32, #tpu.memory_space<vmem>>
    %dma_start3A_120 = tpu.memref_squeeze %dma_start3A_119 : memref<1x72xi32, #tpu.memory_space<vmem>> -> memref<72xi32, #tpu.memory_space<vmem>>
    %dma_start3A_121 = arith.constant 0 : i32
    %dma_start3A_122 = arith.constant 0 : i32
    %dma_start3A_123 = tpu.memref_slice %arg4[%dma_start3A_121, %dma_start3A_122] : memref<1000000x64xf32, #tpu.memory_space<hbm>> -> memref<1000000x64xf32, #tpu.memory_space<hbm>>
    tpu.enqueue_indirect_dma source(%dma_start3A_123 : memref<1000000x64xf32, #tpu.memory_space<hbm>>) target(%dma_start3A_117 : memref<72x64xf32, #tpu.memory_space<vmem>>) offsets(%dma_start3A_120 : memref<72xi32, #tpu.memory_space<vmem>>) semaphore(%arg13 : memref<!tpu.dma_semaphore, #tpu.memory_space<semaphore_mem>>)
    %scan3A_124 = arith.constant 0 : i32
    %scan3A_125 = arith.constant 0 : i32
    %scan3A_126 = arith.constant 62 : i32
    %scan3A_127 = arith.addi %scan3A_125, %scan3A_126 : i32
    %scan3A_128 = arith.constant 1 : i32
    scf.for %scan3A_210 = %scan3A_125 to %scan3A_127 step %scan3A_128  : i32 {
      %mul3A_211 = arith.constant 2 : i32
      %mul3A_212 = arith.muli %mul3A_211, %scan3A_210 : i32
      %add3A_213 = arith.constant 2 : i32
      %add3A_214 = arith.addi %mul3A_212, %add3A_213 : i32
      %dma_wait3A_215 = arith.constant 0 : i32
      %dma_wait3A_216 = arith.constant 0 : i32
      %dma_wait3A_217 = tpu.memref_slice %arg4[%dma_wait3A_215, %dma_wait3A_216] : memref<1000000x64xf32, #tpu.memory_space<hbm>> -> memref<200x64xf32, #tpu.memory_space<hbm>>
      %dma_wait3A_218 = arith.constant 0 : i32
      %dma_wait3A_219 = arith.constant 0 : i32
      %dma_wait3A_220 = tpu.memref_slice %arg4[%dma_wait3A_218, %dma_wait3A_219] : memref<1000000x64xf32, #tpu.memory_space<hbm>> -> memref<200x64xf32, #tpu.memory_space<hbm>>
      tpu.wait_dma2 semaphore(%arg12 : memref<!tpu.dma_semaphore, #tpu.memory_space<semaphore_mem>>) src(%dma_wait3A_220 : memref<200x64xf32, #tpu.memory_space<hbm>>) dst(%arg7 : memref<200x64xf32, #tpu.memory_space<vmem>>)
      %dma_wait3A_221 = arith.constant 0 : i32
      %dma_wait3A_222 = arith.constant 0 : i32
      %dma_wait3A_223 = arith.constant 0 : i32
      %dma_wait3A_224 = tpu.memref_slice %arg5[%dma_wait3A_221, %dma_wait3A_222, %dma_wait3A_223] : memref<4096x100x128xf32, #tpu.memory_space<hbm>> -> memref<1x100x128xf32, #tpu.memory_space<hbm>>
      %dma_wait3A_225 = tpu.memref_squeeze %dma_wait3A_224 : memref<1x100x128xf32, #tpu.memory_space<hbm>> -> memref<100x128xf32, #tpu.memory_space<hbm>>
      %dma_wait3A_226 = arith.constant 0 : i32
      %dma_wait3A_227 = arith.constant 0 : i32
      %dma_wait3A_228 = tpu.memref_slice %arg5[%dma_wait3A_221, %dma_wait3A_226, %dma_wait3A_227] : memref<4096x100x128xf32, #tpu.memory_space<hbm>> -> memref<1x100x128xf32, #tpu.memory_space<hbm>>
      %dma_wait3A_229 = tpu.memref_squeeze %dma_wait3A_228 : memref<1x100x128xf32, #tpu.memory_space<hbm>> -> memref<100x128xf32, #tpu.memory_space<hbm>>
      tpu.wait_dma2 semaphore(%arg14 : memref<!tpu.dma_semaphore, #tpu.memory_space<semaphore_mem>>) src(%arg9 : memref<100x128xf32, #tpu.memory_space<vmem>>) dst(%dma_wait3A_229 : memref<100x128xf32, #tpu.memory_space<hbm>>)
      %scan3A_230 = arith.constant 0 : i32
      %scan3A_231 = arith.constant 0 : i32
      %scan3A_232 = arith.constant 100 : i32
      %scan3A_233 = arith.addi %scan3A_231, %scan3A_232 : i32
      %scan3A_234 = arith.constant 1 : i32
      scf.for %scan3A_319 = %scan3A_231 to %scan3A_233 step %scan3A_234  : i32 {
        %mul3A_320 = arith.constant 2 : i32
        %mul3A_321 = arith.muli %mul3A_320, %scan3A_319 : i32
        %add3A_322 = arith.constant 0 : i32
        %add3A_323 = arith.addi %mul3A_321, %add3A_322 : i32
        %get3A = arith.index_cast %add3A_323 : i32 to index
        %get3A_324 = arith.constant 0 : index
        %get3A_325 = tpu.vector_load %arg7[%get3A, %get3A_324] {strides = array<i32>} : memref<200x64xf32, #tpu.memory_space<vmem>>, vector<1x16xf32>,
        %get3A_326 = vector.shape_cast %get3A_325 : vector<1x16xf32> to vector<16xf32>
        %get3A_327 = arith.index_cast %add3A_323 : i32 to index
        %get3A_328 = arith.constant 0 : index
        %get3A_329 = tpu.vector_load %arg11[%get3A_327, %get3A_328] {strides = array<i32>} : memref<200x64xf32, #tpu.memory_space<vmem>>, vector<1x16xf32>,
        %get3A_330 = vector.shape_cast %get3A_329 : vector<1x16xf32> to vector<16xf32>
        %add3A_331 = arith.addf %get3A_326, %get3A_330 : vector<16xf32>
        %swap3A = arith.index_cast %scan3A_319 : i32 to index
        %swap3A_332 = arith.constant 0 : index
        %swap3A_333 = tpu.vector_load %arg9[%swap3A, %swap3A_332] {strides = array<i32>} : memref<100x128xf32, #tpu.memory_space<vmem>>, vector<1x16xf32>,
        %swap3A_334 = vector.shape_cast %swap3A_333 : vector<1x16xf32> to vector<16xf32>
        %swap3A_335 = vector.shape_cast %add3A_331 : vector<16xf32> to vector<1x16xf32>
        tpu.vector_store %arg9[%swap3A, %swap3A_332], %swap3A_335 {strides = array<i32>} : memref<100x128xf32, #tpu.memory_space<vmem>>, vector<1x16xf32>,
        %get3A_336 = arith.index_cast %add3A_323 : i32 to index
        %get3A_337 = arith.constant 16 : index
        %get3A_338 = tpu.vector_load %arg7[%get3A_336, %get3A_337] {strides = array<i32>} : memref<200x64xf32, #tpu.memory_space<vmem>>, vector<1x16xf32>,
        %get3A_339 = vector.shape_cast %get3A_338 : vector<1x16xf32> to vector<16xf32>
        %get3A_340 = arith.index_cast %add3A_323 : i32 to index
        %get3A_341 = arith.constant 16 : index
        %get3A_342 = tpu.vector_load %arg11[%get3A_340, %get3A_341] {strides = array<i32>} : memref<200x64xf32, #tpu.memory_space<vmem>>, vector<1x16xf32>,
        %get3A_343 = vector.shape_cast %get3A_342 : vector<1x16xf32> to vector<16xf32>
        %add3A_344 = arith.addf %get3A_339, %get3A_343 : vector<16xf32>
        %swap3A_345 = arith.index_cast %scan3A_319 : i32 to index
        %swap3A_346 = arith.constant 16 : index
        %swap3A_347 = tpu.vector_load %arg9[%swap3A_345, %swap3A_346] {strides = array<i32>} : memref<100x128xf32, #tpu.memory_space<vmem>>, vector<1x16xf32>,
        %swap3A_348 = vector.shape_cast %swap3A_347 : vector<1x16xf32> to vector<16xf32>
        %swap3A_349 = vector.shape_cast %add3A_344 : vector<16xf32> to vector<1x16xf32>
        tpu.vector_store %arg9[%swap3A_345, %swap3A_346], %swap3A_349 {strides = array<i32>} : memref<100x128xf32, #tpu.memory_space<vmem>>, vector<1x16xf32>,
        %get3A_350 = arith.index_cast %add3A_323 : i32 to index
        %get3A_351 = arith.constant 32 : index
        %get3A_352 = tpu.vector_load %arg7[%get3A_350, %get3A_351] {strides = array<i32>} : memref<200x64xf32, #tpu.memory_space<vmem>>, vector<1x16xf32>,
        %get3A_353 = vector.shape_cast %get3A_352 : vector<1x16xf32> to vector<16xf32>
        %get3A_354 = arith.index_cast %add3A_323 : i32 to index
        %get3A_355 = arith.constant 32 : index
        %get3A_356 = tpu.vector_load %arg11[%get3A_354, %get3A_355] {strides = array<i32>} : memref<200x64xf32, #tpu.memory_space<vmem>>, vector<1x16xf32>,
        %get3A_357 = vector.shape_cast %get3A_356 : vector<1x16xf32> to vector<16xf32>
        %add3A_358 = arith.addf %get3A_353, %get3A_357 : vector<16xf32>
        %swap3A_359 = arith.index_cast %scan3A_319 : i32 to index
        %swap3A_360 = arith.constant 32 : index
        %swap3A_361 = tpu.vector_load %arg9[%swap3A_359, %swap3A_360] {strides = array<i32>} : memref<100x128xf32, #tpu.memory_space<vmem>>, vector<1x16xf32>,
        %swap3A_362 = vector.shape_cast %swap3A_361 : vector<1x16xf32> to vector<16xf32>
        %swap3A_363 = vector.shape_cast %add3A_358 : vector<16xf32> to vector<1x16xf32>
        tpu.vector_store %arg9[%swap3A_359, %swap3A_360], %swap3A_363 {strides = array<i32>} : memref<100x128xf32, #tpu.memory_space<vmem>>, vector<1x16xf32>,
        %get3A_364 = arith.index_cast %add3A_323 : i32 to index
        %get3A_365 = arith.constant 48 : index
        %get3A_366 = tpu.vector_load %arg7[%get3A_364, %get3A_365] {strides = array<i32>} : memref<200x64xf32, #tpu.memory_space<vmem>>, vector<1x16xf32>,
        %get3A_367 = vector.shape_cast %get3A_366 : vector<1x16xf32> to vector<16xf32>
        %get3A_368 = arith.index_cast %add3A_323 : i32 to index
        %get3A_369 = arith.constant 48 : index
        %get3A_370 = tpu.vector_load %arg11[%get3A_368, %get3A_369] {strides = array<i32>} : memref<200x64xf32, #tpu.memory_space<vmem>>, vector<1x16xf32>,
        %get3A_371 = vector.shape_cast %get3A_370 : vector<1x16xf32> to vector<16xf32>
        %add3A_372 = arith.addf %get3A_367, %get3A_371 : vector<16xf32>
        %swap3A_373 = arith.index_cast %scan3A_319 : i32 to index
        %swap3A_374 = arith.constant 48 : index
        %swap3A_375 = tpu.vector_load %arg9[%swap3A_373, %swap3A_374] {strides = array<i32>} : memref<100x128xf32, #tpu.memory_space<vmem>>, vector<1x16xf32>,
        %swap3A_376 = vector.shape_cast %swap3A_375 : vector<1x16xf32> to vector<16xf32>
        %swap3A_377 = vector.shape_cast %add3A_372 : vector<16xf32> to vector<1x16xf32>
        tpu.vector_store %arg9[%swap3A_373, %swap3A_374], %swap3A_377 {strides = array<i32>} : memref<100x128xf32, #tpu.memory_space<vmem>>, vector<1x16xf32>,
        %mul3A_378 = arith.constant 2 : i32
        %mul3A_379 = arith.muli %mul3A_378, %scan3A_319 : i32
        %add3A_380 = arith.constant 1 : i32
        %add3A_381 = arith.addi %mul3A_379, %add3A_380 : i32
        %get3A_382 = arith.index_cast %add3A_381 : i32 to index
        %get3A_383 = arith.constant 0 : index
        %get3A_384 = tpu.vector_load %arg7[%get3A_382, %get3A_383] {strides = array<i32>} : memref<200x64xf32, #tpu.memory_space<vmem>>, vector<1x16xf32>,
        %get3A_385 = vector.shape_cast %get3A_384 : vector<1x16xf32> to vector<16xf32>
        %get3A_386 = arith.index_cast %add3A_381 : i32 to index
        %get3A_387 = arith.constant 0 : index
        %get3A_388 = tpu.vector_load %arg11[%get3A_386, %get3A_387] {strides = array<i32>} : memref<200x64xf32, #tpu.memory_space<vmem>>, vector<1x16xf32>,
        %get3A_389 = vector.shape_cast %get3A_388 : vector<1x16xf32> to vector<16xf32>
        %add3A_390 = arith.addf %get3A_385, %get3A_389 : vector<16xf32>
        %swap3A_391 = arith.index_cast %scan3A_319 : i32 to index
        %swap3A_392 = arith.constant 64 : index
        %swap3A_393 = tpu.vector_load %arg9[%swap3A_391, %swap3A_392] {strides = array<i32>} : memref<100x128xf32, #tpu.memory_space<vmem>>, vector<1x16xf32>,
        %swap3A_394 = vector.shape_cast %swap3A_393 : vector<1x16xf32> to vector<16xf32>
        %swap3A_395 = vector.shape_cast %add3A_390 : vector<16xf32> to vector<1x16xf32>
        tpu.vector_store %arg9[%swap3A_391, %swap3A_392], %swap3A_395 {strides = array<i32>} : memref<100x128xf32, #tpu.memory_space<vmem>>, vector<1x16xf32>,
        %get3A_396 = arith.index_cast %add3A_381 : i32 to index
        %get3A_397 = arith.constant 16 : index
        %get3A_398 = tpu.vector_load %arg7[%get3A_396, %get3A_397] {strides = array<i32>} : memref<200x64xf32, #tpu.memory_space<vmem>>, vector<1x16xf32>,
        %get3A_399 = vector.shape_cast %get3A_398 : vector<1x16xf32> to vector<16xf32>
        %get3A_400 = arith.index_cast %add3A_381 : i32 to index
        %get3A_401 = arith.constant 16 : index
        %get3A_402 = tpu.vector_load %arg11[%get3A_400, %get3A_401] {strides = array<i32>} : memref<200x64xf32, #tpu.memory_space<vmem>>, vector<1x16xf32>,
        %get3A_403 = vector.shape_cast %get3A_402 : vector<1x16xf32> to vector<16xf32>
        %add3A_404 = arith.addf %get3A_399, %get3A_403 : vector<16xf32>
        %swap3A_405 = arith.index_cast %scan3A_319 : i32 to index
        %swap3A_406 = arith.constant 80 : index
        %swap3A_407 = tpu.vector_load %arg9[%swap3A_405, %swap3A_406] {strides = array<i32>} : memref<100x128xf32, #tpu.memory_space<vmem>>, vector<1x16xf32>,
        %swap3A_408 = vector.shape_cast %swap3A_407 : vector<1x16xf32> to vector<16xf32>
        %swap3A_409 = vector.shape_cast %add3A_404 : vector<16xf32> to vector<1x16xf32>
        tpu.vector_store %arg9[%swap3A_405, %swap3A_406], %swap3A_409 {strides = array<i32>} : memref<100x128xf32, #tpu.memory_space<vmem>>, vector<1x16xf32>,
        %get3A_410 = arith.index_cast %add3A_381 : i32 to index
        %get3A_411 = arith.constant 32 : index
        %get3A_412 = tpu.vector_load %arg7[%get3A_410, %get3A_411] {strides = array<i32>} : memref<200x64xf32, #tpu.memory_space<vmem>>, vector<1x16xf32>,
        %get3A_413 = vector.shape_cast %get3A_412 : vector<1x16xf32> to vector<16xf32>
        %get3A_414 = arith.index_cast %add3A_381 : i32 to index
        %get3A_415 = arith.constant 32 : index
        %get3A_416 = tpu.vector_load %arg11[%get3A_414, %get3A_415] {strides = array<i32>} : memref<200x64xf32, #tpu.memory_space<vmem>>, vector<1x16xf32>,
        %get3A_417 = vector.shape_cast %get3A_416 : vector<1x16xf32> to vector<16xf32>
        %add3A_418 = arith.addf %get3A_413, %get3A_417 : vector<16xf32>
        %swap3A_419 = arith.index_cast %scan3A_319 : i32 to index
        %swap3A_420 = arith.constant 96 : index
        %swap3A_421 = tpu.vector_load %arg9[%swap3A_419, %swap3A_420] {strides = array<i32>} : memref<100x128xf32, #tpu.memory_space<vmem>>, vector<1x16xf32>,
        %swap3A_422 = vector.shape_cast %swap3A_421 : vector<1x16xf32> to vector<16xf32>
        %swap3A_423 = vector.shape_cast %add3A_418 : vector<16xf32> to vector<1x16xf32>
        tpu.vector_store %arg9[%swap3A_419, %swap3A_420], %swap3A_423 {strides = array<i32>} : memref<100x128xf32, #tpu.memory_space<vmem>>, vector<1x16xf32>,
        %get3A_424 = arith.index_cast %add3A_381 : i32 to index
        %get3A_425 = arith.constant 48 : index
        %get3A_426 = tpu.vector_load %arg7[%get3A_424, %get3A_425] {strides = array<i32>} : memref<200x64xf32, #tpu.memory_space<vmem>>, vector<1x16xf32>,
        %get3A_427 = vector.shape_cast %get3A_426 : vector<1x16xf32> to vector<16xf32>
        %get3A_428 = arith.index_cast %add3A_381 : i32 to index
        %get3A_429 = arith.constant 48 : index
        %get3A_430 = tpu.vector_load %arg11[%get3A_428, %get3A_429] {strides = array<i32>} : memref<200x64xf32, #tpu.memory_space<vmem>>, vector<1x16xf32>,
        %get3A_431 = vector.shape_cast %get3A_430 : vector<1x16xf32> to vector<16xf32>
        %add3A_432 = arith.addf %get3A_427, %get3A_431 : vector<16xf32>
        %swap3A_433 = arith.index_cast %scan3A_319 : i32 to index
        %swap3A_434 = arith.constant 112 : index
        %swap3A_435 = tpu.vector_load %arg9[%swap3A_433, %swap3A_434] {strides = array<i32>} : memref<100x128xf32, #tpu.memory_space<vmem>>, vector<1x16xf32>,
        %swap3A_436 = vector.shape_cast %swap3A_435 : vector<1x16xf32> to vector<16xf32>
        %swap3A_437 = vector.shape_cast %add3A_432 : vector<16xf32> to vector<1x16xf32>
        tpu.vector_store %arg9[%swap3A_433, %swap3A_434], %swap3A_437 {strides = array<i32>} : memref<100x128xf32, #tpu.memory_space<vmem>>, vector<1x16xf32>,
      }
      %scan3A_235 = arith.constant 100 : i32
      %add3A_236 = arith.addi %mul3A_2, %add3A_214 : i32
      %dma_start3A_237 = arith.constant 0 : i32
      %dma_start3A_238 = arith.constant 0 : i32
      %dma_start3A_239 = tpu.memref_slice %arg5[%add3A_236, %dma_start3A_237, %dma_start3A_238] : memref<4096x100x128xf32, #tpu.memory_space<hbm>> -> memref<1x100x128xf32, #tpu.memory_space<hbm>>
      %dma_start3A_240 = tpu.memref_squeeze %dma_start3A_239 : memref<1x100x128xf32, #tpu.memory_space<hbm>> -> memref<100x128xf32, #tpu.memory_space<hbm>>
      %dma_start3A_241 = arith.constant 0 : i32
      %dma_start3A_242 = arith.constant 0 : i32
      %dma_start3A_243 = tpu.memref_slice %arg5[%add3A_236, %dma_start3A_241, %dma_start3A_242] : memref<4096x100x128xf32, #tpu.memory_space<hbm>> -> memref<1x100x128xf32, #tpu.memory_space<hbm>>
      %dma_start3A_244 = tpu.memref_squeeze %dma_start3A_243 : memref<1x100x128xf32, #tpu.memory_space<hbm>> -> memref<100x128xf32, #tpu.memory_space<hbm>>
      tpu.enqueue_dma source(%arg9 : memref<100x128xf32, #tpu.memory_space<vmem>>) target(%dma_start3A_244 : memref<100x128xf32, #tpu.memory_space<hbm>>) target_semaphore(%arg14 : memref<!tpu.dma_semaphore, #tpu.memory_space<semaphore_mem>>)
      %add3A_245 = arith.constant 2 : i32
      %add3A_246 = arith.addi %add3A_214, %add3A_245 : i32
      %dma_start3A_247 = arith.constant 0 : i32
      %dma_start3A_248 = arith.constant 0 : i32
      %dma_start3A_249 = tpu.memref_slice %arg7[%dma_start3A_247, %dma_start3A_248] : memref<200x64xf32, #tpu.memory_space<vmem>> -> memref<128x64xf32, #tpu.memory_space<vmem>>
      %dma_start3A_250 = arith.constant 0 : i32
      %dma_start3A_251 = tpu.memref_slice %arg6[%add3A_246, %dma_start3A_250] : memref<128x200xi32, #tpu.memory_space<vmem>> -> memref<1x128xi32, #tpu.memory_space<vmem>>
      %dma_start3A_252 = tpu.memref_squeeze %dma_start3A_251 : memref<1x128xi32, #tpu.memory_space<vmem>> -> memref<128xi32, #tpu.memory_space<vmem>>
      %dma_start3A_253 = arith.constant 0 : i32
      %dma_start3A_254 = arith.constant 0 : i32
      %dma_start3A_255 = tpu.memref_slice %arg4[%dma_start3A_253, %dma_start3A_254] : memref<1000000x64xf32, #tpu.memory_space<hbm>> -> memref<1000000x64xf32, #tpu.memory_space<hbm>>
      tpu.enqueue_indirect_dma source(%dma_start3A_255 : memref<1000000x64xf32, #tpu.memory_space<hbm>>) target(%dma_start3A_249 : memref<128x64xf32, #tpu.memory_space<vmem>>) offsets(%dma_start3A_252 : memref<128xi32, #tpu.memory_space<vmem>>) semaphore(%arg12 : memref<!tpu.dma_semaphore, #tpu.memory_space<semaphore_mem>>)
      %dma_start3A_256 = arith.constant 128 : i32
      %dma_start3A_257 = arith.constant 0 : i32
      %dma_start3A_258 = tpu.memref_slice %arg7[%dma_start3A_256, %dma_start3A_257] : memref<200x64xf32, #tpu.memory_space<vmem>> -> memref<72x64xf32, #tpu.memory_space<vmem>>
      %dma_start3A_259 = arith.constant 128 : i32
      %dma_start3A_260 = tpu.memref_slice %arg6[%add3A_246, %dma_start3A_259] : memref<128x200xi32, #tpu.memory_space<vmem>> -> memref<1x72xi32, #tpu.memory_space<vmem>>
      %dma_start3A_261 = tpu.memref_squeeze %dma_start3A_260 : memref<1x72xi32, #tpu.memory_space<vmem>> -> memref<72xi32, #tpu.memory_space<vmem>>
      %dma_start3A_262 = arith.constant 0 : i32
      %dma_start3A_263 = arith.constant 0 : i32
      %dma_start3A_264 = tpu.memref_slice %arg4[%dma_start3A_262, %dma_start3A_263] : memref<1000000x64xf32, #tpu.memory_space<hbm>> -> memref<1000000x64xf32, #tpu.memory_space<hbm>>
      tpu.enqueue_indirect_dma source(%dma_start3A_264 : memref<1000000x64xf32, #tpu.memory_space<hbm>>) target(%dma_start3A_258 : memref<72x64xf32, #tpu.memory_space<vmem>>) offsets(%dma_start3A_261 : memref<72xi32, #tpu.memory_space<vmem>>) semaphore(%arg12 : memref<!tpu.dma_semaphore, #tpu.memory_space<semaphore_mem>>)
      %mul3A_265 = arith.constant 2 : i32
      %mul3A_266 = arith.muli %mul3A_265, %scan3A_210 : i32
      %add3A_267 = arith.constant 3 : i32
      %add3A_268 = arith.addi %mul3A_266, %add3A_267 : i32
      %dma_wait3A_269 = arith.constant 0 : i32
      %dma_wait3A_270 = arith.constant 0 : i32
      %dma_wait3A_271 = tpu.memref_slice %arg4[%dma_wait3A_269, %dma_wait3A_270] : memref<1000000x64xf32, #tpu.memory_space<hbm>> -> memref<200x64xf32, #tpu.memory_space<hbm>>
      %dma_wait3A_272 = arith.constant 0 : i32
      %dma_wait3A_273 = arith.constant 0 : i32
      %dma_wait3A_274 = tpu.memref_slice %arg4[%dma_wait3A_272, %dma_wait3A_273] : memref<1000000x64xf32, #tpu.memory_space<hbm>> -> memref<200x64xf32, #tpu.memory_space<hbm>>
      tpu.wait_dma2 semaphore(%arg13 : memref<!tpu.dma_semaphore, #tpu.memory_space<semaphore_mem>>) src(%dma_wait3A_274 : memref<200x64xf32, #tpu.memory_space<hbm>>) dst(%arg8 : memref<200x64xf32, #tpu.memory_space<vmem>>)
      %dma_wait3A_275 = arith.constant 0 : i32
      %dma_wait3A_276 = arith.constant 0 : i32
      %dma_wait3A_277 = arith.constant 0 : i32
      %dma_wait3A_278 = tpu.memref_slice %arg5[%dma_wait3A_275, %dma_wait3A_276, %dma_wait3A_277] : memref<4096x100x128xf32, #tpu.memory_space<hbm>> -> memref<1x100x128xf32, #tpu.memory_space<hbm>>
      %dma_wait3A_279 = tpu.memref_squeeze %dma_wait3A_278 : memref<1x100x128xf32, #tpu.memory_space<hbm>> -> memref<100x128xf32, #tpu.memory_space<hbm>>
      %dma_wait3A_280 = arith.constant 0 : i32
      %dma_wait3A_281 = arith.constant 0 : i32
      %dma_wait3A_282 = tpu.memref_slice %arg5[%dma_wait3A_275, %dma_wait3A_280, %dma_wait3A_281] : memref<4096x100x128xf32, #tpu.memory_space<hbm>> -> memref<1x100x128xf32, #tpu.memory_space<hbm>>
      %dma_wait3A_283 = tpu.memref_squeeze %dma_wait3A_282 : memref<1x100x128xf32, #tpu.memory_space<hbm>> -> memref<100x128xf32, #tpu.memory_space<hbm>>
      tpu.wait_dma2 semaphore(%arg15 : memref<!tpu.dma_semaphore, #tpu.memory_space<semaphore_mem>>) src(%arg10 : memref<100x128xf32, #tpu.memory_space<vmem>>) dst(%dma_wait3A_283 : memref<100x128xf32, #tpu.memory_space<hbm>>)
      %scan3A_284 = arith.constant 0 : i32
      %scan3A_285 = arith.constant 0 : i32
      %scan3A_286 = arith.constant 100 : i32
      %scan3A_287 = arith.addi %scan3A_285, %scan3A_286 : i32
      %scan3A_288 = arith.constant 1 : i32
      scf.for %scan3A_319 = %scan3A_285 to %scan3A_287 step %scan3A_288  : i32 {
        %mul3A_320 = arith.constant 2 : i32
        %mul3A_321 = arith.muli %mul3A_320, %scan3A_319 : i32
        %add3A_322 = arith.constant 0 : i32
        %add3A_323 = arith.addi %mul3A_321, %add3A_322 : i32
        %get3A = arith.index_cast %add3A_323 : i32 to index
        %get3A_324 = arith.constant 0 : index
        %get3A_325 = tpu.vector_load %arg8[%get3A, %get3A_324] {strides = array<i32>} : memref<200x64xf32, #tpu.memory_space<vmem>>, vector<1x16xf32>,
        %get3A_326 = vector.shape_cast %get3A_325 : vector<1x16xf32> to vector<16xf32>
        %get3A_327 = arith.index_cast %add3A_323 : i32 to index
        %get3A_328 = arith.constant 0 : index
        %get3A_329 = tpu.vector_load %arg11[%get3A_327, %get3A_328] {strides = array<i32>} : memref<200x64xf32, #tpu.memory_space<vmem>>, vector<1x16xf32>,
        %get3A_330 = vector.shape_cast %get3A_329 : vector<1x16xf32> to vector<16xf32>
        %add3A_331 = arith.addf %get3A_326, %get3A_330 : vector<16xf32>
        %swap3A = arith.index_cast %scan3A_319 : i32 to index
        %swap3A_332 = arith.constant 0 : index
        %swap3A_333 = tpu.vector_load %arg10[%swap3A, %swap3A_332] {strides = array<i32>} : memref<100x128xf32, #tpu.memory_space<vmem>>, vector<1x16xf32>,
        %swap3A_334 = vector.shape_cast %swap3A_333 : vector<1x16xf32> to vector<16xf32>
        %swap3A_335 = vector.shape_cast %add3A_331 : vector<16xf32> to vector<1x16xf32>
        tpu.vector_store %arg10[%swap3A, %swap3A_332], %swap3A_335 {strides = array<i32>} : memref<100x128xf32, #tpu.memory_space<vmem>>, vector<1x16xf32>,
        %get3A_336 = arith.index_cast %add3A_323 : i32 to index
        %get3A_337 = arith.constant 16 : index
        %get3A_338 = tpu.vector_load %arg8[%get3A_336, %get3A_337] {strides = array<i32>} : memref<200x64xf32, #tpu.memory_space<vmem>>, vector<1x16xf32>,
        %get3A_339 = vector.shape_cast %get3A_338 : vector<1x16xf32> to vector<16xf32>
        %get3A_340 = arith.index_cast %add3A_323 : i32 to index
        %get3A_341 = arith.constant 16 : index
        %get3A_342 = tpu.vector_load %arg11[%get3A_340, %get3A_341] {strides = array<i32>} : memref<200x64xf32, #tpu.memory_space<vmem>>, vector<1x16xf32>,
        %get3A_343 = vector.shape_cast %get3A_342 : vector<1x16xf32> to vector<16xf32>
        %add3A_344 = arith.addf %get3A_339, %get3A_343 : vector<16xf32>
        %swap3A_345 = arith.index_cast %scan3A_319 : i32 to index
        %swap3A_346 = arith.constant 16 : index
        %swap3A_347 = tpu.vector_load %arg10[%swap3A_345, %swap3A_346] {strides = array<i32>} : memref<100x128xf32, #tpu.memory_space<vmem>>, vector<1x16xf32>,
        %swap3A_348 = vector.shape_cast %swap3A_347 : vector<1x16xf32> to vector<16xf32>
        %swap3A_349 = vector.shape_cast %add3A_344 : vector<16xf32> to vector<1x16xf32>
        tpu.vector_store %arg10[%swap3A_345, %swap3A_346], %swap3A_349 {strides = array<i32>} : memref<100x128xf32, #tpu.memory_space<vmem>>, vector<1x16xf32>,
        %get3A_350 = arith.index_cast %add3A_323 : i32 to index
        %get3A_351 = arith.constant 32 : index
        %get3A_352 = tpu.vector_load %arg8[%get3A_350, %get3A_351] {strides = array<i32>} : memref<200x64xf32, #tpu.memory_space<vmem>>, vector<1x16xf32>,
        %get3A_353 = vector.shape_cast %get3A_352 : vector<1x16xf32> to vector<16xf32>
        %get3A_354 = arith.index_cast %add3A_323 : i32 to index
        %get3A_355 = arith.constant 32 : index
        %get3A_356 = tpu.vector_load %arg11[%get3A_354, %get3A_355] {strides = array<i32>} : memref<200x64xf32, #tpu.memory_space<vmem>>, vector<1x16xf32>,
        %get3A_357 = vector.shape_cast %get3A_356 : vector<1x16xf32> to vector<16xf32>
        %add3A_358 = arith.addf %get3A_353, %get3A_357 : vector<16xf32>
        %swap3A_359 = arith.index_cast %scan3A_319 : i32 to index
        %swap3A_360 = arith.constant 32 : index
        %swap3A_361 = tpu.vector_load %arg10[%swap3A_359, %swap3A_360] {strides = array<i32>} : memref<100x128xf32, #tpu.memory_space<vmem>>, vector<1x16xf32>,
        %swap3A_362 = vector.shape_cast %swap3A_361 : vector<1x16xf32> to vector<16xf32>
        %swap3A_363 = vector.shape_cast %add3A_358 : vector<16xf32> to vector<1x16xf32>
        tpu.vector_store %arg10[%swap3A_359, %swap3A_360], %swap3A_363 {strides = array<i32>} : memref<100x128xf32, #tpu.memory_space<vmem>>, vector<1x16xf32>,
        %get3A_364 = arith.index_cast %add3A_323 : i32 to index
        %get3A_365 = arith.constant 48 : index
        %get3A_366 = tpu.vector_load %arg8[%get3A_364, %get3A_365] {strides = array<i32>} : memref<200x64xf32, #tpu.memory_space<vmem>>, vector<1x16xf32>,
        %get3A_367 = vector.shape_cast %get3A_366 : vector<1x16xf32> to vector<16xf32>
        %get3A_368 = arith.index_cast %add3A_323 : i32 to index
        %get3A_369 = arith.constant 48 : index
        %get3A_370 = tpu.vector_load %arg11[%get3A_368, %get3A_369] {strides = array<i32>} : memref<200x64xf32, #tpu.memory_space<vmem>>, vector<1x16xf32>,
        %get3A_371 = vector.shape_cast %get3A_370 : vector<1x16xf32> to vector<16xf32>
        %add3A_372 = arith.addf %get3A_367, %get3A_371 : vector<16xf32>
        %swap3A_373 = arith.index_cast %scan3A_319 : i32 to index
        %swap3A_374 = arith.constant 48 : index
        %swap3A_375 = tpu.vector_load %arg10[%swap3A_373, %swap3A_374] {strides = array<i32>} : memref<100x128xf32, #tpu.memory_space<vmem>>, vector<1x16xf32>,
        %swap3A_376 = vector.shape_cast %swap3A_375 : vector<1x16xf32> to vector<16xf32>
        %swap3A_377 = vector.shape_cast %add3A_372 : vector<16xf32> to vector<1x16xf32>
        tpu.vector_store %arg10[%swap3A_373, %swap3A_374], %swap3A_377 {strides = array<i32>} : memref<100x128xf32, #tpu.memory_space<vmem>>, vector<1x16xf32>,
        %mul3A_378 = arith.constant 2 : i32
        %mul3A_379 = arith.muli %mul3A_378, %scan3A_319 : i32
        %add3A_380 = arith.constant 1 : i32
        %add3A_381 = arith.addi %mul3A_379, %add3A_380 : i32
        %get3A_382 = arith.index_cast %add3A_381 : i32 to index
        %get3A_383 = arith.constant 0 : index
        %get3A_384 = tpu.vector_load %arg8[%get3A_382, %get3A_383] {strides = array<i32>} : memref<200x64xf32, #tpu.memory_space<vmem>>, vector<1x16xf32>,
        %get3A_385 = vector.shape_cast %get3A_384 : vector<1x16xf32> to vector<16xf32>
        %get3A_386 = arith.index_cast %add3A_381 : i32 to index
        %get3A_387 = arith.constant 0 : index
        %get3A_388 = tpu.vector_load %arg11[%get3A_386, %get3A_387] {strides = array<i32>} : memref<200x64xf32, #tpu.memory_space<vmem>>, vector<1x16xf32>,
        %get3A_389 = vector.shape_cast %get3A_388 : vector<1x16xf32> to vector<16xf32>
        %add3A_390 = arith.addf %get3A_385, %get3A_389 : vector<16xf32>
        %swap3A_391 = arith.index_cast %scan3A_319 : i32 to index
        %swap3A_392 = arith.constant 64 : index
        %swap3A_393 = tpu.vector_load %arg10[%swap3A_391, %swap3A_392] {strides = array<i32>} : memref<100x128xf32, #tpu.memory_space<vmem>>, vector<1x16xf32>,
        %swap3A_394 = vector.shape_cast %swap3A_393 : vector<1x16xf32> to vector<16xf32>
        %swap3A_395 = vector.shape_cast %add3A_390 : vector<16xf32> to vector<1x16xf32>
        tpu.vector_store %arg10[%swap3A_391, %swap3A_392], %swap3A_395 {strides = array<i32>} : memref<100x128xf32, #tpu.memory_space<vmem>>, vector<1x16xf32>,
        %get3A_396 = arith.index_cast %add3A_381 : i32 to index
        %get3A_397 = arith.constant 16 : index
        %get3A_398 = tpu.vector_load %arg8[%get3A_396, %get3A_397] {strides = array<i32>} : memref<200x64xf32, #tpu.memory_space<vmem>>, vector<1x16xf32>,
        %get3A_399 = vector.shape_cast %get3A_398 : vector<1x16xf32> to vector<16xf32>
        %get3A_400 = arith.index_cast %add3A_381 : i32 to index
        %get3A_401 = arith.constant 16 : index
        %get3A_402 = tpu.vector_load %arg11[%get3A_400, %get3A_401] {strides = array<i32>} : memref<200x64xf32, #tpu.memory_space<vmem>>, vector<1x16xf32>,
        %get3A_403 = vector.shape_cast %get3A_402 : vector<1x16xf32> to vector<16xf32>
        %add3A_404 = arith.addf %get3A_399, %get3A_403 : vector<16xf32>
        %swap3A_405 = arith.index_cast %scan3A_319 : i32 to index
        %swap3A_406 = arith.constant 80 : index
        %swap3A_407 = tpu.vector_load %arg10[%swap3A_405, %swap3A_406] {strides = array<i32>} : memref<100x128xf32, #tpu.memory_space<vmem>>, vector<1x16xf32>,
        %swap3A_408 = vector.shape_cast %swap3A_407 : vector<1x16xf32> to vector<16xf32>
        %swap3A_409 = vector.shape_cast %add3A_404 : vector<16xf32> to vector<1x16xf32>
        tpu.vector_store %arg10[%swap3A_405, %swap3A_406], %swap3A_409 {strides = array<i32>} : memref<100x128xf32, #tpu.memory_space<vmem>>, vector<1x16xf32>,
        %get3A_410 = arith.index_cast %add3A_381 : i32 to index
        %get3A_411 = arith.constant 32 : index
        %get3A_412 = tpu.vector_load %arg8[%get3A_410, %get3A_411] {strides = array<i32>} : memref<200x64xf32, #tpu.memory_space<vmem>>, vector<1x16xf32>,
        %get3A_413 = vector.shape_cast %get3A_412 : vector<1x16xf32> to vector<16xf32>
        %get3A_414 = arith.index_cast %add3A_381 : i32 to index
        %get3A_415 = arith.constant 32 : index
        %get3A_416 = tpu.vector_load %arg11[%get3A_414, %get3A_415] {strides = array<i32>} : memref<200x64xf32, #tpu.memory_space<vmem>>, vector<1x16xf32>,
        %get3A_417 = vector.shape_cast %get3A_416 : vector<1x16xf32> to vector<16xf32>
        %add3A_418 = arith.addf %get3A_413, %get3A_417 : vector<16xf32>
        %swap3A_419 = arith.index_cast %scan3A_319 : i32 to index
        %swap3A_420 = arith.constant 96 : index
        %swap3A_421 = tpu.vector_load %arg10[%swap3A_419, %swap3A_420] {strides = array<i32>} : memref<100x128xf32, #tpu.memory_space<vmem>>, vector<1x16xf32>,
        %swap3A_422 = vector.shape_cast %swap3A_421 : vector<1x16xf32> to vector<16xf32>
        %swap3A_423 = vector.shape_cast %add3A_418 : vector<16xf32> to vector<1x16xf32>
        tpu.vector_store %arg10[%swap3A_419, %swap3A_420], %swap3A_423 {strides = array<i32>} : memref<100x128xf32, #tpu.memory_space<vmem>>, vector<1x16xf32>,
        %get3A_424 = arith.index_cast %add3A_381 : i32 to index
        %get3A_425 = arith.constant 48 : index
        %get3A_426 = tpu.vector_load %arg8[%get3A_424, %get3A_425] {strides = array<i32>} : memref<200x64xf32, #tpu.memory_space<vmem>>, vector<1x16xf32>,
        %get3A_427 = vector.shape_cast %get3A_426 : vector<1x16xf32> to vector<16xf32>
        %get3A_428 = arith.index_cast %add3A_381 : i32 to index
        %get3A_429 = arith.constant 48 : index
        %get3A_430 = tpu.vector_load %arg11[%get3A_428, %get3A_429] {strides = array<i32>} : memref<200x64xf32, #tpu.memory_space<vmem>>, vector<1x16xf32>,
        %get3A_431 = vector.shape_cast %get3A_430 : vector<1x16xf32> to vector<16xf32>
        %add3A_432 = arith.addf %get3A_427, %get3A_431 : vector<16xf32>
        %swap3A_433 = arith.index_cast %scan3A_319 : i32 to index
        %swap3A_434 = arith.constant 112 : index
        %swap3A_435 = tpu.vector_load %arg10[%swap3A_433, %swap3A_434] {strides = array<i32>} : memref<100x128xf32, #tpu.memory_space<vmem>>, vector<1x16xf32>,
        %swap3A_436 = vector.shape_cast %swap3A_435 : vector<1x16xf32> to vector<16xf32>
        %swap3A_437 = vector.shape_cast %add3A_432 : vector<16xf32> to vector<1x16xf32>
        tpu.vector_store %arg10[%swap3A_433, %swap3A_434], %swap3A_437 {strides = array<i32>} : memref<100x128xf32, #tpu.memory_space<vmem>>, vector<1x16xf32>,
      }
      %scan3A_289 = arith.constant 100 : i32
      %add3A_290 = arith.addi %mul3A_2, %add3A_268 : i32
      %dma_start3A_291 = arith.constant 0 : i32
      %dma_start3A_292 = arith.constant 0 : i32
      %dma_start3A_293 = tpu.memref_slice %arg5[%add3A_290, %dma_start3A_291, %dma_start3A_292] : memref<4096x100x128xf32, #tpu.memory_space<hbm>> -> memref<1x100x128xf32, #tpu.memory_space<hbm>>
      %dma_start3A_294 = tpu.memref_squeeze %dma_start3A_293 : memref<1x100x128xf32, #tpu.memory_space<hbm>> -> memref<100x128xf32, #tpu.memory_space<hbm>>
      %dma_start3A_295 = arith.constant 0 : i32
      %dma_start3A_296 = arith.constant 0 : i32
      %dma_start3A_297 = tpu.memref_slice %arg5[%add3A_290, %dma_start3A_295, %dma_start3A_296] : memref<4096x100x128xf32, #tpu.memory_space<hbm>> -> memref<1x100x128xf32, #tpu.memory_space<hbm>>
      %dma_start3A_298 = tpu.memref_squeeze %dma_start3A_297 : memref<1x100x128xf32, #tpu.memory_space<hbm>> -> memref<100x128xf32, #tpu.memory_space<hbm>>
      tpu.enqueue_dma source(%arg10 : memref<100x128xf32, #tpu.memory_space<vmem>>) target(%dma_start3A_298 : memref<100x128xf32, #tpu.memory_space<hbm>>) target_semaphore(%arg15 : memref<!tpu.dma_semaphore, #tpu.memory_space<semaphore_mem>>)
      %add3A_299 = arith.constant 2 : i32
      %add3A_300 = arith.addi %add3A_268, %add3A_299 : i32
      %dma_start3A_301 = arith.constant 0 : i32
      %dma_start3A_302 = arith.constant 0 : i32
      %dma_start3A_303 = tpu.memref_slice %arg8[%dma_start3A_301, %dma_start3A_302] : memref<200x64xf32, #tpu.memory_space<vmem>> -> memref<128x64xf32, #tpu.memory_space<vmem>>
      %dma_start3A_304 = arith.constant 0 : i32
      %dma_start3A_305 = tpu.memref_slice %arg6[%add3A_300, %dma_start3A_304] : memref<128x200xi32, #tpu.memory_space<vmem>> -> memref<1x128xi32, #tpu.memory_space<vmem>>
      %dma_start3A_306 = tpu.memref_squeeze %dma_start3A_305 : memref<1x128xi32, #tpu.memory_space<vmem>> -> memref<128xi32, #tpu.memory_space<vmem>>
      %dma_start3A_307 = arith.constant 0 : i32
      %dma_start3A_308 = arith.constant 0 : i32
      %dma_start3A_309 = tpu.memref_slice %arg4[%dma_start3A_307, %dma_start3A_308] : memref<1000000x64xf32, #tpu.memory_space<hbm>> -> memref<1000000x64xf32, #tpu.memory_space<hbm>>
      tpu.enqueue_indirect_dma source(%dma_start3A_309 : memref<1000000x64xf32, #tpu.memory_space<hbm>>) target(%dma_start3A_303 : memref<128x64xf32, #tpu.memory_space<vmem>>) offsets(%dma_start3A_306 : memref<128xi32, #tpu.memory_space<vmem>>) semaphore(%arg13 : memref<!tpu.dma_semaphore, #tpu.memory_space<semaphore_mem>>)
      %dma_start3A_310 = arith.constant 128 : i32
      %dma_start3A_311 = arith.constant 0 : i32
      %dma_start3A_312 = tpu.memref_slice %arg8[%dma_start3A_310, %dma_start3A_311] : memref<200x64xf32, #tpu.memory_space<vmem>> -> memref<72x64xf32, #tpu.memory_space<vmem>>
      %dma_start3A_313 = arith.constant 128 : i32
      %dma_start3A_314 = tpu.memref_slice %arg6[%add3A_300, %dma_start3A_313] : memref<128x200xi32, #tpu.memory_space<vmem>> -> memref<1x72xi32, #tpu.memory_space<vmem>>
      %dma_start3A_315 = tpu.memref_squeeze %dma_start3A_314 : memref<1x72xi32, #tpu.memory_space<vmem>> -> memref<72xi32, #tpu.memory_space<vmem>>
      %dma_start3A_316 = arith.constant 0 : i32
      %dma_start3A_317 = arith.constant 0 : i32
      %dma_start3A_318 = tpu.memref_slice %arg4[%dma_start3A_316, %dma_start3A_317] : memref<1000000x64xf32, #tpu.memory_space<hbm>> -> memref<1000000x64xf32, #tpu.memory_space<hbm>>
      tpu.enqueue_indirect_dma source(%dma_start3A_318 : memref<1000000x64xf32, #tpu.memory_space<hbm>>) target(%dma_start3A_312 : memref<72x64xf32, #tpu.memory_space<vmem>>) offsets(%dma_start3A_315 : memref<72xi32, #tpu.memory_space<vmem>>) semaphore(%arg13 : memref<!tpu.dma_semaphore, #tpu.memory_space<semaphore_mem>>)
    }
    %scan3A_129 = arith.constant 62 : i32
    %dma_wait3A_130 = arith.constant 0 : i32
    %dma_wait3A_131 = arith.constant 0 : i32
    %dma_wait3A_132 = tpu.memref_slice %arg4[%dma_wait3A_130, %dma_wait3A_131] : memref<1000000x64xf32, #tpu.memory_space<hbm>> -> memref<200x64xf32, #tpu.memory_space<hbm>>
    %dma_wait3A_133 = arith.constant 0 : i32
    %dma_wait3A_134 = arith.constant 0 : i32
    %dma_wait3A_135 = tpu.memref_slice %arg4[%dma_wait3A_133, %dma_wait3A_134] : memref<1000000x64xf32, #tpu.memory_space<hbm>> -> memref<200x64xf32, #tpu.memory_space<hbm>>
    tpu.wait_dma2 semaphore(%arg12 : memref<!tpu.dma_semaphore, #tpu.memory_space<semaphore_mem>>) src(%dma_wait3A_135 : memref<200x64xf32, #tpu.memory_space<hbm>>) dst(%arg7 : memref<200x64xf32, #tpu.memory_space<vmem>>)
    %dma_wait3A_136 = arith.constant 0 : i32
    %dma_wait3A_137 = arith.constant 0 : i32
    %dma_wait3A_138 = arith.constant 0 : i32
    %dma_wait3A_139 = tpu.memref_slice %arg5[%dma_wait3A_136, %dma_wait3A_137, %dma_wait3A_138] : memref<4096x100x128xf32, #tpu.memory_space<hbm>> -> memref<1x100x128xf32, #tpu.memory_space<hbm>>
    %dma_wait3A_140 = tpu.memref_squeeze %dma_wait3A_139 : memref<1x100x128xf32, #tpu.memory_space<hbm>> -> memref<100x128xf32, #tpu.memory_space<hbm>>
    %dma_wait3A_141 = arith.constant 0 : i32
    %dma_wait3A_142 = arith.constant 0 : i32
    %dma_wait3A_143 = tpu.memref_slice %arg5[%dma_wait3A_136, %dma_wait3A_141, %dma_wait3A_142] : memref<4096x100x128xf32, #tpu.memory_space<hbm>> -> memref<1x100x128xf32, #tpu.memory_space<hbm>>
    %dma_wait3A_144 = tpu.memref_squeeze %dma_wait3A_143 : memref<1x100x128xf32, #tpu.memory_space<hbm>> -> memref<100x128xf32, #tpu.memory_space<hbm>>
    tpu.wait_dma2 semaphore(%arg14 : memref<!tpu.dma_semaphore, #tpu.memory_space<semaphore_mem>>) src(%arg9 : memref<100x128xf32, #tpu.memory_space<vmem>>) dst(%dma_wait3A_144 : memref<100x128xf32, #tpu.memory_space<hbm>>)
    %scan3A_145 = arith.constant 0 : i32
    %scan3A_146 = arith.constant 0 : i32
    %scan3A_147 = arith.constant 100 : i32
    %scan3A_148 = arith.addi %scan3A_146, %scan3A_147 : i32
    %scan3A_149 = arith.constant 1 : i32
    scf.for %scan3A_210 = %scan3A_146 to %scan3A_148 step %scan3A_149  : i32 {
      %mul3A_211 = arith.constant 2 : i32
      %mul3A_212 = arith.muli %mul3A_211, %scan3A_210 : i32
      %add3A_213 = arith.constant 0 : i32
      %add3A_214 = arith.addi %mul3A_212, %add3A_213 : i32
      %get3A = arith.index_cast %add3A_214 : i32 to index
      %get3A_215 = arith.constant 0 : index
      %get3A_216 = tpu.vector_load %arg7[%get3A, %get3A_215] {strides = array<i32>} : memref<200x64xf32, #tpu.memory_space<vmem>>, vector<1x16xf32>,
      %get3A_217 = vector.shape_cast %get3A_216 : vector<1x16xf32> to vector<16xf32>
      %get3A_218 = arith.index_cast %add3A_214 : i32 to index
      %get3A_219 = arith.constant 0 : index
      %get3A_220 = tpu.vector_load %arg11[%get3A_218, %get3A_219] {strides = array<i32>} : memref<200x64xf32, #tpu.memory_space<vmem>>, vector<1x16xf32>,
      %get3A_221 = vector.shape_cast %get3A_220 : vector<1x16xf32> to vector<16xf32>
      %add3A_222 = arith.addf %get3A_217, %get3A_221 : vector<16xf32>
      %swap3A = arith.index_cast %scan3A_210 : i32 to index
      %swap3A_223 = arith.constant 0 : index
      %swap3A_224 = tpu.vector_load %arg9[%swap3A, %swap3A_223] {strides = array<i32>} : memref<100x128xf32, #tpu.memory_space<vmem>>, vector<1x16xf32>,
      %swap3A_225 = vector.shape_cast %swap3A_224 : vector<1x16xf32> to vector<16xf32>
      %swap3A_226 = vector.shape_cast %add3A_222 : vector<16xf32> to vector<1x16xf32>
      tpu.vector_store %arg9[%swap3A, %swap3A_223], %swap3A_226 {strides = array<i32>} : memref<100x128xf32, #tpu.memory_space<vmem>>, vector<1x16xf32>,
      %get3A_227 = arith.index_cast %add3A_214 : i32 to index
      %get3A_228 = arith.constant 16 : index
      %get3A_229 = tpu.vector_load %arg7[%get3A_227, %get3A_228] {strides = array<i32>} : memref<200x64xf32, #tpu.memory_space<vmem>>, vector<1x16xf32>,
      %get3A_230 = vector.shape_cast %get3A_229 : vector<1x16xf32> to vector<16xf32>
      %get3A_231 = arith.index_cast %add3A_214 : i32 to index
      %get3A_232 = arith.constant 16 : index
      %get3A_233 = tpu.vector_load %arg11[%get3A_231, %get3A_232] {strides = array<i32>} : memref<200x64xf32, #tpu.memory_space<vmem>>, vector<1x16xf32>,
      %get3A_234 = vector.shape_cast %get3A_233 : vector<1x16xf32> to vector<16xf32>
      %add3A_235 = arith.addf %get3A_230, %get3A_234 : vector<16xf32>
      %swap3A_236 = arith.index_cast %scan3A_210 : i32 to index
      %swap3A_237 = arith.constant 16 : index
      %swap3A_238 = tpu.vector_load %arg9[%swap3A_236, %swap3A_237] {strides = array<i32>} : memref<100x128xf32, #tpu.memory_space<vmem>>, vector<1x16xf32>,
      %swap3A_239 = vector.shape_cast %swap3A_238 : vector<1x16xf32> to vector<16xf32>
      %swap3A_240 = vector.shape_cast %add3A_235 : vector<16xf32> to vector<1x16xf32>
      tpu.vector_store %arg9[%swap3A_236, %swap3A_237], %swap3A_240 {strides = array<i32>} : memref<100x128xf32, #tpu.memory_space<vmem>>, vector<1x16xf32>,
      %get3A_241 = arith.index_cast %add3A_214 : i32 to index
      %get3A_242 = arith.constant 32 : index
      %get3A_243 = tpu.vector_load %arg7[%get3A_241, %get3A_242] {strides = array<i32>} : memref<200x64xf32, #tpu.memory_space<vmem>>, vector<1x16xf32>,
      %get3A_244 = vector.shape_cast %get3A_243 : vector<1x16xf32> to vector<16xf32>
      %get3A_245 = arith.index_cast %add3A_214 : i32 to index
      %get3A_246 = arith.constant 32 : index
      %get3A_247 = tpu.vector_load %arg11[%get3A_245, %get3A_246] {strides = array<i32>} : memref<200x64xf32, #tpu.memory_space<vmem>>, vector<1x16xf32>,
      %get3A_248 = vector.shape_cast %get3A_247 : vector<1x16xf32> to vector<16xf32>
      %add3A_249 = arith.addf %get3A_244, %get3A_248 : vector<16xf32>
      %swap3A_250 = arith.index_cast %scan3A_210 : i32 to index
      %swap3A_251 = arith.constant 32 : index
      %swap3A_252 = tpu.vector_load %arg9[%swap3A_250, %swap3A_251] {strides = array<i32>} : memref<100x128xf32, #tpu.memory_space<vmem>>, vector<1x16xf32>,
      %swap3A_253 = vector.shape_cast %swap3A_252 : vector<1x16xf32> to vector<16xf32>
      %swap3A_254 = vector.shape_cast %add3A_249 : vector<16xf32> to vector<1x16xf32>
      tpu.vector_store %arg9[%swap3A_250, %swap3A_251], %swap3A_254 {strides = array<i32>} : memref<100x128xf32, #tpu.memory_space<vmem>>, vector<1x16xf32>,
      %get3A_255 = arith.index_cast %add3A_214 : i32 to index
      %get3A_256 = arith.constant 48 : index
      %get3A_257 = tpu.vector_load %arg7[%get3A_255, %get3A_256] {strides = array<i32>} : memref<200x64xf32, #tpu.memory_space<vmem>>, vector<1x16xf32>,
      %get3A_258 = vector.shape_cast %get3A_257 : vector<1x16xf32> to vector<16xf32>
      %get3A_259 = arith.index_cast %add3A_214 : i32 to index
      %get3A_260 = arith.constant 48 : index
      %get3A_261 = tpu.vector_load %arg11[%get3A_259, %get3A_260] {strides = array<i32>} : memref<200x64xf32, #tpu.memory_space<vmem>>, vector<1x16xf32>,
      %get3A_262 = vector.shape_cast %get3A_261 : vector<1x16xf32> to vector<16xf32>
      %add3A_263 = arith.addf %get3A_258, %get3A_262 : vector<16xf32>
      %swap3A_264 = arith.index_cast %scan3A_210 : i32 to index
      %swap3A_265 = arith.constant 48 : index
      %swap3A_266 = tpu.vector_load %arg9[%swap3A_264, %swap3A_265] {strides = array<i32>} : memref<100x128xf32, #tpu.memory_space<vmem>>, vector<1x16xf32>,
      %swap3A_267 = vector.shape_cast %swap3A_266 : vector<1x16xf32> to vector<16xf32>
      %swap3A_268 = vector.shape_cast %add3A_263 : vector<16xf32> to vector<1x16xf32>
      tpu.vector_store %arg9[%swap3A_264, %swap3A_265], %swap3A_268 {strides = array<i32>} : memref<100x128xf32, #tpu.memory_space<vmem>>, vector<1x16xf32>,
      %mul3A_269 = arith.constant 2 : i32
      %mul3A_270 = arith.muli %mul3A_269, %scan3A_210 : i32
      %add3A_271 = arith.constant 1 : i32
      %add3A_272 = arith.addi %mul3A_270, %add3A_271 : i32
      %get3A_273 = arith.index_cast %add3A_272 : i32 to index
      %get3A_274 = arith.constant 0 : index
      %get3A_275 = tpu.vector_load %arg7[%get3A_273, %get3A_274] {strides = array<i32>} : memref<200x64xf32, #tpu.memory_space<vmem>>, vector<1x16xf32>,
      %get3A_276 = vector.shape_cast %get3A_275 : vector<1x16xf32> to vector<16xf32>
      %get3A_277 = arith.index_cast %add3A_272 : i32 to index
      %get3A_278 = arith.constant 0 : index
      %get3A_279 = tpu.vector_load %arg11[%get3A_277, %get3A_278] {strides = array<i32>} : memref<200x64xf32, #tpu.memory_space<vmem>>, vector<1x16xf32>,
      %get3A_280 = vector.shape_cast %get3A_279 : vector<1x16xf32> to vector<16xf32>
      %add3A_281 = arith.addf %get3A_276, %get3A_280 : vector<16xf32>
      %swap3A_282 = arith.index_cast %scan3A_210 : i32 to index
      %swap3A_283 = arith.constant 64 : index
      %swap3A_284 = tpu.vector_load %arg9[%swap3A_282, %swap3A_283] {strides = array<i32>} : memref<100x128xf32, #tpu.memory_space<vmem>>, vector<1x16xf32>,
      %swap3A_285 = vector.shape_cast %swap3A_284 : vector<1x16xf32> to vector<16xf32>
      %swap3A_286 = vector.shape_cast %add3A_281 : vector<16xf32> to vector<1x16xf32>
      tpu.vector_store %arg9[%swap3A_282, %swap3A_283], %swap3A_286 {strides = array<i32>} : memref<100x128xf32, #tpu.memory_space<vmem>>, vector<1x16xf32>,
      %get3A_287 = arith.index_cast %add3A_272 : i32 to index
      %get3A_288 = arith.constant 16 : index
      %get3A_289 = tpu.vector_load %arg7[%get3A_287, %get3A_288] {strides = array<i32>} : memref<200x64xf32, #tpu.memory_space<vmem>>, vector<1x16xf32>,
      %get3A_290 = vector.shape_cast %get3A_289 : vector<1x16xf32> to vector<16xf32>
      %get3A_291 = arith.index_cast %add3A_272 : i32 to index
      %get3A_292 = arith.constant 16 : index
      %get3A_293 = tpu.vector_load %arg11[%get3A_291, %get3A_292] {strides = array<i32>} : memref<200x64xf32, #tpu.memory_space<vmem>>, vector<1x16xf32>,
      %get3A_294 = vector.shape_cast %get3A_293 : vector<1x16xf32> to vector<16xf32>
      %add3A_295 = arith.addf %get3A_290, %get3A_294 : vector<16xf32>
      %swap3A_296 = arith.index_cast %scan3A_210 : i32 to index
      %swap3A_297 = arith.constant 80 : index
      %swap3A_298 = tpu.vector_load %arg9[%swap3A_296, %swap3A_297] {strides = array<i32>} : memref<100x128xf32, #tpu.memory_space<vmem>>, vector<1x16xf32>,
      %swap3A_299 = vector.shape_cast %swap3A_298 : vector<1x16xf32> to vector<16xf32>
      %swap3A_300 = vector.shape_cast %add3A_295 : vector<16xf32> to vector<1x16xf32>
      tpu.vector_store %arg9[%swap3A_296, %swap3A_297], %swap3A_300 {strides = array<i32>} : memref<100x128xf32, #tpu.memory_space<vmem>>, vector<1x16xf32>,
      %get3A_301 = arith.index_cast %add3A_272 : i32 to index
      %get3A_302 = arith.constant 32 : index
      %get3A_303 = tpu.vector_load %arg7[%get3A_301, %get3A_302] {strides = array<i32>} : memref<200x64xf32, #tpu.memory_space<vmem>>, vector<1x16xf32>,
      %get3A_304 = vector.shape_cast %get3A_303 : vector<1x16xf32> to vector<16xf32>
      %get3A_305 = arith.index_cast %add3A_272 : i32 to index
      %get3A_306 = arith.constant 32 : index
      %get3A_307 = tpu.vector_load %arg11[%get3A_305, %get3A_306] {strides = array<i32>} : memref<200x64xf32, #tpu.memory_space<vmem>>, vector<1x16xf32>,
      %get3A_308 = vector.shape_cast %get3A_307 : vector<1x16xf32> to vector<16xf32>
      %add3A_309 = arith.addf %get3A_304, %get3A_308 : vector<16xf32>
      %swap3A_310 = arith.index_cast %scan3A_210 : i32 to index
      %swap3A_311 = arith.constant 96 : index
      %swap3A_312 = tpu.vector_load %arg9[%swap3A_310, %swap3A_311] {strides = array<i32>} : memref<100x128xf32, #tpu.memory_space<vmem>>, vector<1x16xf32>,
      %swap3A_313 = vector.shape_cast %swap3A_312 : vector<1x16xf32> to vector<16xf32>
      %swap3A_314 = vector.shape_cast %add3A_309 : vector<16xf32> to vector<1x16xf32>
      tpu.vector_store %arg9[%swap3A_310, %swap3A_311], %swap3A_314 {strides = array<i32>} : memref<100x128xf32, #tpu.memory_space<vmem>>, vector<1x16xf32>,
      %get3A_315 = arith.index_cast %add3A_272 : i32 to index
      %get3A_316 = arith.constant 48 : index
      %get3A_317 = tpu.vector_load %arg7[%get3A_315, %get3A_316] {strides = array<i32>} : memref<200x64xf32, #tpu.memory_space<vmem>>, vector<1x16xf32>,
      %get3A_318 = vector.shape_cast %get3A_317 : vector<1x16xf32> to vector<16xf32>
      %get3A_319 = arith.index_cast %add3A_272 : i32 to index
      %get3A_320 = arith.constant 48 : index
      %get3A_321 = tpu.vector_load %arg11[%get3A_319, %get3A_320] {strides = array<i32>} : memref<200x64xf32, #tpu.memory_space<vmem>>, vector<1x16xf32>,
      %get3A_322 = vector.shape_cast %get3A_321 : vector<1x16xf32> to vector<16xf32>
      %add3A_323 = arith.addf %get3A_318, %get3A_322 : vector<16xf32>
      %swap3A_324 = arith.index_cast %scan3A_210 : i32 to index
      %swap3A_325 = arith.constant 112 : index
      %swap3A_326 = tpu.vector_load %arg9[%swap3A_324, %swap3A_325] {strides = array<i32>} : memref<100x128xf32, #tpu.memory_space<vmem>>, vector<1x16xf32>,
      %swap3A_327 = vector.shape_cast %swap3A_326 : vector<1x16xf32> to vector<16xf32>
      %swap3A_328 = vector.shape_cast %add3A_323 : vector<16xf32> to vector<1x16xf32>
      tpu.vector_store %arg9[%swap3A_324, %swap3A_325], %swap3A_328 {strides = array<i32>} : memref<100x128xf32, #tpu.memory_space<vmem>>, vector<1x16xf32>,
    }
    %scan3A_150 = arith.constant 100 : i32
    %add3A_151 = arith.constant 126 : i32
    %add3A_152 = arith.addi %mul3A_2, %add3A_151 : i32
    %dma_start3A_153 = arith.constant 0 : i32
    %dma_start3A_154 = arith.constant 0 : i32
    %dma_start3A_155 = tpu.memref_slice %arg5[%add3A_152, %dma_start3A_153, %dma_start3A_154] : memref<4096x100x128xf32, #tpu.memory_space<hbm>> -> memref<1x100x128xf32, #tpu.memory_space<hbm>>
    %dma_start3A_156 = tpu.memref_squeeze %dma_start3A_155 : memref<1x100x128xf32, #tpu.memory_space<hbm>> -> memref<100x128xf32, #tpu.memory_space<hbm>>
    %dma_start3A_157 = arith.constant 0 : i32
    %dma_start3A_158 = arith.constant 0 : i32
    %dma_start3A_159 = tpu.memref_slice %arg5[%add3A_152, %dma_start3A_157, %dma_start3A_158] : memref<4096x100x128xf32, #tpu.memory_space<hbm>> -> memref<1x100x128xf32, #tpu.memory_space<hbm>>
    %dma_start3A_160 = tpu.memref_squeeze %dma_start3A_159 : memref<1x100x128xf32, #tpu.memory_space<hbm>> -> memref<100x128xf32, #tpu.memory_space<hbm>>
    tpu.enqueue_dma source(%arg9 : memref<100x128xf32, #tpu.memory_space<vmem>>) target(%dma_start3A_160 : memref<100x128xf32, #tpu.memory_space<hbm>>) target_semaphore(%arg14 : memref<!tpu.dma_semaphore, #tpu.memory_space<semaphore_mem>>)
    %dma_wait3A_161 = arith.constant 0 : i32
    %dma_wait3A_162 = arith.constant 0 : i32
    %dma_wait3A_163 = tpu.memref_slice %arg4[%dma_wait3A_161, %dma_wait3A_162] : memref<1000000x64xf32, #tpu.memory_space<hbm>> -> memref<200x64xf32, #tpu.memory_space<hbm>>
    %dma_wait3A_164 = arith.constant 0 : i32
    %dma_wait3A_165 = arith.constant 0 : i32
    %dma_wait3A_166 = tpu.memref_slice %arg4[%dma_wait3A_164, %dma_wait3A_165] : memref<1000000x64xf32, #tpu.memory_space<hbm>> -> memref<200x64xf32, #tpu.memory_space<hbm>>
    tpu.wait_dma2 semaphore(%arg13 : memref<!tpu.dma_semaphore, #tpu.memory_space<semaphore_mem>>) src(%dma_wait3A_166 : memref<200x64xf32, #tpu.memory_space<hbm>>) dst(%arg8 : memref<200x64xf32, #tpu.memory_space<vmem>>)
    %dma_wait3A_167 = arith.constant 0 : i32
    %dma_wait3A_168 = arith.constant 0 : i32
    %dma_wait3A_169 = arith.constant 0 : i32
    %dma_wait3A_170 = tpu.memref_slice %arg5[%dma_wait3A_167, %dma_wait3A_168, %dma_wait3A_169] : memref<4096x100x128xf32, #tpu.memory_space<hbm>> -> memref<1x100x128xf32, #tpu.memory_space<hbm>>
    %dma_wait3A_171 = tpu.memref_squeeze %dma_wait3A_170 : memref<1x100x128xf32, #tpu.memory_space<hbm>> -> memref<100x128xf32, #tpu.memory_space<hbm>>
    %dma_wait3A_172 = arith.constant 0 : i32
    %dma_wait3A_173 = arith.constant 0 : i32
    %dma_wait3A_174 = tpu.memref_slice %arg5[%dma_wait3A_167, %dma_wait3A_172, %dma_wait3A_173] : memref<4096x100x128xf32, #tpu.memory_space<hbm>> -> memref<1x100x128xf32, #tpu.memory_space<hbm>>
    %dma_wait3A_175 = tpu.memref_squeeze %dma_wait3A_174 : memref<1x100x128xf32, #tpu.memory_space<hbm>> -> memref<100x128xf32, #tpu.memory_space<hbm>>
    tpu.wait_dma2 semaphore(%arg15 : memref<!tpu.dma_semaphore, #tpu.memory_space<semaphore_mem>>) src(%arg10 : memref<100x128xf32, #tpu.memory_space<vmem>>) dst(%dma_wait3A_175 : memref<100x128xf32, #tpu.memory_space<hbm>>)
    %scan3A_176 = arith.constant 0 : i32
    %scan3A_177 = arith.constant 0 : i32
    %scan3A_178 = arith.constant 100 : i32
    %scan3A_179 = arith.addi %scan3A_177, %scan3A_178 : i32
    %scan3A_180 = arith.constant 1 : i32
    scf.for %scan3A_210 = %scan3A_177 to %scan3A_179 step %scan3A_180  : i32 {
      %mul3A_211 = arith.constant 2 : i32
      %mul3A_212 = arith.muli %mul3A_211, %scan3A_210 : i32
      %add3A_213 = arith.constant 0 : i32
      %add3A_214 = arith.addi %mul3A_212, %add3A_213 : i32
      %get3A = arith.index_cast %add3A_214 : i32 to index
      %get3A_215 = arith.constant 0 : index
      %get3A_216 = tpu.vector_load %arg8[%get3A, %get3A_215] {strides = array<i32>} : memref<200x64xf32, #tpu.memory_space<vmem>>, vector<1x16xf32>,
      %get3A_217 = vector.shape_cast %get3A_216 : vector<1x16xf32> to vector<16xf32>
      %get3A_218 = arith.index_cast %add3A_214 : i32 to index
      %get3A_219 = arith.constant 0 : index
      %get3A_220 = tpu.vector_load %arg11[%get3A_218, %get3A_219] {strides = array<i32>} : memref<200x64xf32, #tpu.memory_space<vmem>>, vector<1x16xf32>,
      %get3A_221 = vector.shape_cast %get3A_220 : vector<1x16xf32> to vector<16xf32>
      %add3A_222 = arith.addf %get3A_217, %get3A_221 : vector<16xf32>
      %swap3A = arith.index_cast %scan3A_210 : i32 to index
      %swap3A_223 = arith.constant 0 : index
      %swap3A_224 = tpu.vector_load %arg10[%swap3A, %swap3A_223] {strides = array<i32>} : memref<100x128xf32, #tpu.memory_space<vmem>>, vector<1x16xf32>,
      %swap3A_225 = vector.shape_cast %swap3A_224 : vector<1x16xf32> to vector<16xf32>
      %swap3A_226 = vector.shape_cast %add3A_222 : vector<16xf32> to vector<1x16xf32>
      tpu.vector_store %arg10[%swap3A, %swap3A_223], %swap3A_226 {strides = array<i32>} : memref<100x128xf32, #tpu.memory_space<vmem>>, vector<1x16xf32>,
      %get3A_227 = arith.index_cast %add3A_214 : i32 to index
      %get3A_228 = arith.constant 16 : index
      %get3A_229 = tpu.vector_load %arg8[%get3A_227, %get3A_228] {strides = array<i32>} : memref<200x64xf32, #tpu.memory_space<vmem>>, vector<1x16xf32>,
      %get3A_230 = vector.shape_cast %get3A_229 : vector<1x16xf32> to vector<16xf32>
      %get3A_231 = arith.index_cast %add3A_214 : i32 to index
      %get3A_232 = arith.constant 16 : index
      %get3A_233 = tpu.vector_load %arg11[%get3A_231, %get3A_232] {strides = array<i32>} : memref<200x64xf32, #tpu.memory_space<vmem>>, vector<1x16xf32>,
      %get3A_234 = vector.shape_cast %get3A_233 : vector<1x16xf32> to vector<16xf32>
      %add3A_235 = arith.addf %get3A_230, %get3A_234 : vector<16xf32>
      %swap3A_236 = arith.index_cast %scan3A_210 : i32 to index
      %swap3A_237 = arith.constant 16 : index
      %swap3A_238 = tpu.vector_load %arg10[%swap3A_236, %swap3A_237] {strides = array<i32>} : memref<100x128xf32, #tpu.memory_space<vmem>>, vector<1x16xf32>,
      %swap3A_239 = vector.shape_cast %swap3A_238 : vector<1x16xf32> to vector<16xf32>
      %swap3A_240 = vector.shape_cast %add3A_235 : vector<16xf32> to vector<1x16xf32>
      tpu.vector_store %arg10[%swap3A_236, %swap3A_237], %swap3A_240 {strides = array<i32>} : memref<100x128xf32, #tpu.memory_space<vmem>>, vector<1x16xf32>,
      %get3A_241 = arith.index_cast %add3A_214 : i32 to index
      %get3A_242 = arith.constant 32 : index
      %get3A_243 = tpu.vector_load %arg8[%get3A_241, %get3A_242] {strides = array<i32>} : memref<200x64xf32, #tpu.memory_space<vmem>>, vector<1x16xf32>,
      %get3A_244 = vector.shape_cast %get3A_243 : vector<1x16xf32> to vector<16xf32>
      %get3A_245 = arith.index_cast %add3A_214 : i32 to index
      %get3A_246 = arith.constant 32 : index
      %get3A_247 = tpu.vector_load %arg11[%get3A_245, %get3A_246] {strides = array<i32>} : memref<200x64xf32, #tpu.memory_space<vmem>>, vector<1x16xf32>,
      %get3A_248 = vector.shape_cast %get3A_247 : vector<1x16xf32> to vector<16xf32>
      %add3A_249 = arith.addf %get3A_244, %get3A_248 : vector<16xf32>
      %swap3A_250 = arith.index_cast %scan3A_210 : i32 to index
      %swap3A_251 = arith.constant 32 : index
      %swap3A_252 = tpu.vector_load %arg10[%swap3A_250, %swap3A_251] {strides = array<i32>} : memref<100x128xf32, #tpu.memory_space<vmem>>, vector<1x16xf32>,
      %swap3A_253 = vector.shape_cast %swap3A_252 : vector<1x16xf32> to vector<16xf32>
      %swap3A_254 = vector.shape_cast %add3A_249 : vector<16xf32> to vector<1x16xf32>
      tpu.vector_store %arg10[%swap3A_250, %swap3A_251], %swap3A_254 {strides = array<i32>} : memref<100x128xf32, #tpu.memory_space<vmem>>, vector<1x16xf32>,
      %get3A_255 = arith.index_cast %add3A_214 : i32 to index
      %get3A_256 = arith.constant 48 : index
      %get3A_257 = tpu.vector_load %arg8[%get3A_255, %get3A_256] {strides = array<i32>} : memref<200x64xf32, #tpu.memory_space<vmem>>, vector<1x16xf32>,
      %get3A_258 = vector.shape_cast %get3A_257 : vector<1x16xf32> to vector<16xf32>
      %get3A_259 = arith.index_cast %add3A_214 : i32 to index
      %get3A_260 = arith.constant 48 : index
      %get3A_261 = tpu.vector_load %arg11[%get3A_259, %get3A_260] {strides = array<i32>} : memref<200x64xf32, #tpu.memory_space<vmem>>, vector<1x16xf32>,
      %get3A_262 = vector.shape_cast %get3A_261 : vector<1x16xf32> to vector<16xf32>
      %add3A_263 = arith.addf %get3A_258, %get3A_262 : vector<16xf32>
      %swap3A_264 = arith.index_cast %scan3A_210 : i32 to index
      %swap3A_265 = arith.constant 48 : index
      %swap3A_266 = tpu.vector_load %arg10[%swap3A_264, %swap3A_265] {strides = array<i32>} : memref<100x128xf32, #tpu.memory_space<vmem>>, vector<1x16xf32>,
      %swap3A_267 = vector.shape_cast %swap3A_266 : vector<1x16xf32> to vector<16xf32>
      %swap3A_268 = vector.shape_cast %add3A_263 : vector<16xf32> to vector<1x16xf32>
      tpu.vector_store %arg10[%swap3A_264, %swap3A_265], %swap3A_268 {strides = array<i32>} : memref<100x128xf32, #tpu.memory_space<vmem>>, vector<1x16xf32>,
      %mul3A_269 = arith.constant 2 : i32
      %mul3A_270 = arith.muli %mul3A_269, %scan3A_210 : i32
      %add3A_271 = arith.constant 1 : i32
      %add3A_272 = arith.addi %mul3A_270, %add3A_271 : i32
      %get3A_273 = arith.index_cast %add3A_272 : i32 to index
      %get3A_274 = arith.constant 0 : index
      %get3A_275 = tpu.vector_load %arg8[%get3A_273, %get3A_274] {strides = array<i32>} : memref<200x64xf32, #tpu.memory_space<vmem>>, vector<1x16xf32>,
      %get3A_276 = vector.shape_cast %get3A_275 : vector<1x16xf32> to vector<16xf32>
      %get3A_277 = arith.index_cast %add3A_272 : i32 to index
      %get3A_278 = arith.constant 0 : index
      %get3A_279 = tpu.vector_load %arg11[%get3A_277, %get3A_278] {strides = array<i32>} : memref<200x64xf32, #tpu.memory_space<vmem>>, vector<1x16xf32>,
      %get3A_280 = vector.shape_cast %get3A_279 : vector<1x16xf32> to vector<16xf32>
      %add3A_281 = arith.addf %get3A_276, %get3A_280 : vector<16xf32>
      %swap3A_282 = arith.index_cast %scan3A_210 : i32 to index
      %swap3A_283 = arith.constant 64 : index
      %swap3A_284 = tpu.vector_load %arg10[%swap3A_282, %swap3A_283] {strides = array<i32>} : memref<100x128xf32, #tpu.memory_space<vmem>>, vector<1x16xf32>,
      %swap3A_285 = vector.shape_cast %swap3A_284 : vector<1x16xf32> to vector<16xf32>
      %swap3A_286 = vector.shape_cast %add3A_281 : vector<16xf32> to vector<1x16xf32>
      tpu.vector_store %arg10[%swap3A_282, %swap3A_283], %swap3A_286 {strides = array<i32>} : memref<100x128xf32, #tpu.memory_space<vmem>>, vector<1x16xf32>,
      %get3A_287 = arith.index_cast %add3A_272 : i32 to index
      %get3A_288 = arith.constant 16 : index
      %get3A_289 = tpu.vector_load %arg8[%get3A_287, %get3A_288] {strides = array<i32>} : memref<200x64xf32, #tpu.memory_space<vmem>>, vector<1x16xf32>,
      %get3A_290 = vector.shape_cast %get3A_289 : vector<1x16xf32> to vector<16xf32>
      %get3A_291 = arith.index_cast %add3A_272 : i32 to index
      %get3A_292 = arith.constant 16 : index
      %get3A_293 = tpu.vector_load %arg11[%get3A_291, %get3A_292] {strides = array<i32>} : memref<200x64xf32, #tpu.memory_space<vmem>>, vector<1x16xf32>,
      %get3A_294 = vector.shape_cast %get3A_293 : vector<1x16xf32> to vector<16xf32>
      %add3A_295 = arith.addf %get3A_290, %get3A_294 : vector<16xf32>
      %swap3A_296 = arith.index_cast %scan3A_210 : i32 to index
      %swap3A_297 = arith.constant 80 : index
      %swap3A_298 = tpu.vector_load %arg10[%swap3A_296, %swap3A_297] {strides = array<i32>} : memref<100x128xf32, #tpu.memory_space<vmem>>, vector<1x16xf32>,
      %swap3A_299 = vector.shape_cast %swap3A_298 : vector<1x16xf32> to vector<16xf32>
      %swap3A_300 = vector.shape_cast %add3A_295 : vector<16xf32> to vector<1x16xf32>
      tpu.vector_store %arg10[%swap3A_296, %swap3A_297], %swap3A_300 {strides = array<i32>} : memref<100x128xf32, #tpu.memory_space<vmem>>, vector<1x16xf32>,
      %get3A_301 = arith.index_cast %add3A_272 : i32 to index
      %get3A_302 = arith.constant 32 : index
      %get3A_303 = tpu.vector_load %arg8[%get3A_301, %get3A_302] {strides = array<i32>} : memref<200x64xf32, #tpu.memory_space<vmem>>, vector<1x16xf32>,
      %get3A_304 = vector.shape_cast %get3A_303 : vector<1x16xf32> to vector<16xf32>
      %get3A_305 = arith.index_cast %add3A_272 : i32 to index
      %get3A_306 = arith.constant 32 : index
      %get3A_307 = tpu.vector_load %arg11[%get3A_305, %get3A_306] {strides = array<i32>} : memref<200x64xf32, #tpu.memory_space<vmem>>, vector<1x16xf32>,
      %get3A_308 = vector.shape_cast %get3A_307 : vector<1x16xf32> to vector<16xf32>
      %add3A_309 = arith.addf %get3A_304, %get3A_308 : vector<16xf32>
      %swap3A_310 = arith.index_cast %scan3A_210 : i32 to index
      %swap3A_311 = arith.constant 96 : index
      %swap3A_312 = tpu.vector_load %arg10[%swap3A_310, %swap3A_311] {strides = array<i32>} : memref<100x128xf32, #tpu.memory_space<vmem>>, vector<1x16xf32>,
      %swap3A_313 = vector.shape_cast %swap3A_312 : vector<1x16xf32> to vector<16xf32>
      %swap3A_314 = vector.shape_cast %add3A_309 : vector<16xf32> to vector<1x16xf32>
      tpu.vector_store %arg10[%swap3A_310, %swap3A_311], %swap3A_314 {strides = array<i32>} : memref<100x128xf32, #tpu.memory_space<vmem>>, vector<1x16xf32>,
      %get3A_315 = arith.index_cast %add3A_272 : i32 to index
      %get3A_316 = arith.constant 48 : index
      %get3A_317 = tpu.vector_load %arg8[%get3A_315, %get3A_316] {strides = array<i32>} : memref<200x64xf32, #tpu.memory_space<vmem>>, vector<1x16xf32>,
      %get3A_318 = vector.shape_cast %get3A_317 : vector<1x16xf32> to vector<16xf32>
      %get3A_319 = arith.index_cast %add3A_272 : i32 to index
      %get3A_320 = arith.constant 48 : index
      %get3A_321 = tpu.vector_load %arg11[%get3A_319, %get3A_320] {strides = array<i32>} : memref<200x64xf32, #tpu.memory_space<vmem>>, vector<1x16xf32>,
      %get3A_322 = vector.shape_cast %get3A_321 : vector<1x16xf32> to vector<16xf32>
      %add3A_323 = arith.addf %get3A_318, %get3A_322 : vector<16xf32>
      %swap3A_324 = arith.index_cast %scan3A_210 : i32 to index
      %swap3A_325 = arith.constant 112 : index
      %swap3A_326 = tpu.vector_load %arg10[%swap3A_324, %swap3A_325] {strides = array<i32>} : memref<100x128xf32, #tpu.memory_space<vmem>>, vector<1x16xf32>,
      %swap3A_327 = vector.shape_cast %swap3A_326 : vector<1x16xf32> to vector<16xf32>
      %swap3A_328 = vector.shape_cast %add3A_323 : vector<16xf32> to vector<1x16xf32>
      tpu.vector_store %arg10[%swap3A_324, %swap3A_325], %swap3A_328 {strides = array<i32>} : memref<100x128xf32, #tpu.memory_space<vmem>>, vector<1x16xf32>,
    }
    %scan3A_181 = arith.constant 100 : i32
    %add3A_182 = arith.constant 127 : i32
    %add3A_183 = arith.addi %mul3A_2, %add3A_182 : i32
    %dma_start3A_184 = arith.constant 0 : i32
    %dma_start3A_185 = arith.constant 0 : i32
    %dma_start3A_186 = tpu.memref_slice %arg5[%add3A_183, %dma_start3A_184, %dma_start3A_185] : memref<4096x100x128xf32, #tpu.memory_space<hbm>> -> memref<1x100x128xf32, #tpu.memory_space<hbm>>
    %dma_start3A_187 = tpu.memref_squeeze %dma_start3A_186 : memref<1x100x128xf32, #tpu.memory_space<hbm>> -> memref<100x128xf32, #tpu.memory_space<hbm>>
    %dma_start3A_188 = arith.constant 0 : i32
    %dma_start3A_189 = arith.constant 0 : i32
    %dma_start3A_190 = tpu.memref_slice %arg5[%add3A_183, %dma_start3A_188, %dma_start3A_189] : memref<4096x100x128xf32, #tpu.memory_space<hbm>> -> memref<1x100x128xf32, #tpu.memory_space<hbm>>
    %dma_start3A_191 = tpu.memref_squeeze %dma_start3A_190 : memref<1x100x128xf32, #tpu.memory_space<hbm>> -> memref<100x128xf32, #tpu.memory_space<hbm>>
    tpu.enqueue_dma source(%arg10 : memref<100x128xf32, #tpu.memory_space<vmem>>) target(%dma_start3A_191 : memref<100x128xf32, #tpu.memory_space<hbm>>) target_semaphore(%arg15 : memref<!tpu.dma_semaphore, #tpu.memory_space<semaphore_mem>>)
    %dma_wait3A_192 = arith.constant 0 : i32
    %dma_wait3A_193 = arith.constant 0 : i32
    %dma_wait3A_194 = arith.constant 0 : i32
    %dma_wait3A_195 = tpu.memref_slice %arg5[%dma_wait3A_192, %dma_wait3A_193, %dma_wait3A_194] : memref<4096x100x128xf32, #tpu.memory_space<hbm>> -> memref<1x100x128xf32, #tpu.memory_space<hbm>>
    %dma_wait3A_196 = tpu.memref_squeeze %dma_wait3A_195 : memref<1x100x128xf32, #tpu.memory_space<hbm>> -> memref<100x128xf32, #tpu.memory_space<hbm>>
    %dma_wait3A_197 = arith.constant 0 : i32
    %dma_wait3A_198 = arith.constant 0 : i32
    %dma_wait3A_199 = tpu.memref_slice %arg5[%dma_wait3A_192, %dma_wait3A_197, %dma_wait3A_198] : memref<4096x100x128xf32, #tpu.memory_space<hbm>> -> memref<1x100x128xf32, #tpu.memory_space<hbm>>
    %dma_wait3A_200 = tpu.memref_squeeze %dma_wait3A_199 : memref<1x100x128xf32, #tpu.memory_space<hbm>> -> memref<100x128xf32, #tpu.memory_space<hbm>>
    tpu.wait_dma2 semaphore(%arg14 : memref<!tpu.dma_semaphore, #tpu.memory_space<semaphore_mem>>) src(%arg9 : memref<100x128xf32, #tpu.memory_space<vmem>>) dst(%dma_wait3A_200 : memref<100x128xf32, #tpu.memory_space<hbm>>)
    %dma_wait3A_201 = arith.constant 0 : i32
    %dma_wait3A_202 = arith.constant 0 : i32
    %dma_wait3A_203 = arith.constant 0 : i32
    %dma_wait3A_204 = tpu.memref_slice %arg5[%dma_wait3A_201, %dma_wait3A_202, %dma_wait3A_203] : memref<4096x100x128xf32, #tpu.memory_space<hbm>> -> memref<1x100x128xf32, #tpu.memory_space<hbm>>
    %dma_wait3A_205 = tpu.memref_squeeze %dma_wait3A_204 : memref<1x100x128xf32, #tpu.memory_space<hbm>> -> memref<100x128xf32, #tpu.memory_space<hbm>>
    %dma_wait3A_206 = arith.constant 0 : i32
    %dma_wait3A_207 = arith.constant 0 : i32
    %dma_wait3A_208 = tpu.memref_slice %arg5[%dma_wait3A_201, %dma_wait3A_206, %dma_wait3A_207] : memref<4096x100x128xf32, #tpu.memory_space<hbm>> -> memref<1x100x128xf32, #tpu.memory_space<hbm>>
    %dma_wait3A_209 = tpu.memref_squeeze %dma_wait3A_208 : memref<1x100x128xf32, #tpu.memory_space<hbm>> -> memref<100x128xf32, #tpu.memory_space<hbm>>
    tpu.wait_dma2 semaphore(%arg15 : memref<!tpu.dma_semaphore, #tpu.memory_space<semaphore_mem>>) src(%arg10 : memref<100x128xf32, #tpu.memory_space<vmem>>) dst(%dma_wait3A_209 : memref<100x128xf32, #tpu.memory_space<hbm>>)
    return
  }
}

</mosaic_0001>

<sc_bundles>
// kernel: kernel.3.cloned.1.call-start
scs
__scs_entry_jumppad:
0x0: {  	(pc) =	sbr.rel $0x88, $3  }
0x1: {  	(tag) =	ssettag $0x0;
	lr =	simm.s32 $0x1  }
0x2: {  	[smem:$0x3F9E] =	sst lr;
	_ =	strace $0xD0000000  }
0x3: {  	_ = 	snop  }
0x4: {  	_ = 	snop  }
0x5: {  	_ = 	snop  }
0x6: {  	_ = 	snop  }
0x7: {  	_ = 	snop  }
__scs_overlays_trampoline_lowered:
0x8: {  	[smem:$0x3FAD] =	sst s0  }
0x9: {  	[smem:$0x3FAE] =	sst s1  }
0xa: {  	[smem:$0x3FAF] =	sst s2  }
0xb: {  	[smem:$0x3FB0] =	sst s3  }
0xc: {  	[smem:$0x3FB1] =	sst s4  }
0xd: {  	[smem:$0x3FB2] =	sst s5  }
0xe: {  	[smem:$0x3FB3] =	sst s6  }
0xf: {  	[smem:$0x3FB4] =	sst s7  }
0x10: {  	[smem:$0x3FB5] =	sst s8  }
0x11: {  	[smem:$0x3FB6] =	sst s9;
	s0 =	simm.s32 @!p0 $0x0  }
0x12: {  	s1 =	sld [smem:$0x3F9C];
	s0 =	simm.s32 @p0 $0x1  }
0x13: {  	[smem:$0x3FB7] =	sst s0;
	s0 =	simm.s32 @!p1 $0x0  }
0x14: {  	s2 =	sld [smem:$0x3F9B];
	s0 =	simm.s32 @p1 $0x1  }
0x15: {  	[smem:$0x3FB8] =	sst s0;
	s0 =	simm.s32 @!p2 $0x0  }
0x16: {  	s3 =	sld [smem:$0x3FDB];
	s0 =	simm.s32 @p2 $0x1  }
0x17: {  	s4 =	simm.s32 $0x1BF5;
	[smem:$0x3FBA] =	sst s0  }
0x18: {  	s0 =	sld [smem:$0x3F9D];
	_ =	swait.ge [sflag:s4], $0x0  }
0x19: {  	s7 =	sld [smem:$0x3F9E]  }
0x1a: {  	s8 =	sadd.s32 $0xFFFFE003, lr  }
0x1b: {  	s9 =	sadd.s32 $0xFFFFFEF7, lr;
	s5 =	simm.s32 $0xFFFFFFFF;
	p2 =	slt.u32 s8, $0xFFFFF086  }
0x1c: {  	p1 =	slt.u32 s9, $0xF7A;
	s5 =	simm.s32 @!p2 $0x0  }
0x1d: {  	s5 =	simm.s32 @p1 $0x1;
	p0 =	seq.s32 s7, s2  }
0x1e: {  	s7 =	smul.u32 @!p0 $0xF7A, s2;
	p2 =	seq.s32 @!p0 s5, $0x0  }
0x1f: {  	s9 =	smul.u32 $0xF7A, s1;
	s8 =	simm.s32 @!p0 $0x1BF5;
	p2 =	por !p2, p0  }
0x20: {  	[sflag:s8] =	ssyncset.s32 @!p0 $0xFFFFF086;
	s6 =	sadd.s32 @!p0 s3, s7;
	s7 =	simm.s32 @!p0 $0x108  }
0x21: {  	s3 =	sadd.s32 s3, s9;
	s6 =	sadd.s32 @!p0 $0x88, s6;
	s7 =	simm.s32 @p2 $0x1082  }
0x22: {  	[simem:s7], [sflag:s8] =	dma.local @!p0 [hbm:s6], $0xF7A  }
0x23: {  	s9 =	sor.u32 $0xD0000000, s2;
	s6 =	simm.s32 $0x108;
	_ =	swait.ge @!p0 [sflag:s8], $0x0  }
0x24: {  	s3 =	sadd.s32 $0x88, s3;
	s6 =	simm.s32 @!p1 $0x1082;
	[sflag:s4] =	ssyncset.s32 $0xFFFFF086  }
0x25: {  	[simem:s6], [sflag:s4] =	dma.local [hbm:s3], $0xF7A  }
0x26: {  	[smem:$0x3F9E] =	sst s1;
	(tag) =	ssettag s2;
	_ =	strace s9  }
0x27: {  	s1 =	sld [smem:$0x3FAE]  }
0x28: {  	s2 =	sld [smem:$0x3FAF]  }
0x29: {  	s4 =	sld [smem:$0x3FB1]  }
0x2a: {  	p0 =	seq.s32 s5, $0x0;
	s5 =	sld [smem:$0x3FB2]  }
0x2b: {  	s6 =	sld [smem:$0x3FB3]  }
0x2c: {  	s7 =	sld [smem:$0x3FB4]  }
0x2d: {  	s3 =	simm.s32 $0x108;
	s8 =	sld [smem:$0x3FB5]  }
0x2e: {  	s3 =	simm.s32 @!p0 $0x1082;
	s9 =	sld [smem:$0x3FB6]  }
0x2f: {  	lr =	sadd.s32 s0, s3;
	s0 =	sld [smem:$0x3FAD]  }
0x30: {  	s3 =	sld [smem:$0x3FB0]  }
0x31: {  	[smem:$0x3FB9] =	sst s10  }
0x32: {  	s10 =	sld [smem:$0x3FB7];
	_ =	sdelay $0x3  }
0x33: {  	p0 =	seq.s32 s10, $0x1;
	s10 =	sld [smem:$0x3FB9];
	_ =	sdelay $0x3  }
0x34: {  	[smem:$0x3FB9] =	sst s10  }
0x35: {  	s10 =	sld [smem:$0x3FB8];
	_ =	sdelay $0x3  }
0x36: {  	p1 =	seq.s32 s10, $0x1;
	s10 =	sld [smem:$0x3FB9];
	_ =	sdelay $0x3  }
0x37: {  	[smem:$0x3FB9] =	sst s10  }
0x38: {  	s10 =	sld [smem:$0x3FBA]  }
0x39: {  	_ = 	snop;
	(pc) =	sbr.ind lr, $3  }
0x3a: {  	_ = 	snop  }
0x3b: {  	_ = 	snop  }
0x3c: {  	p2 =	seq.s32 s10, $0x1;
	s10 =	sld [smem:$0x3FB9]  }
0x3d: {  	_ =	shalt  }
0x3e: {  	_ =	shalt  }
0x3f: {  	_ =	shalt  }
0x40: {  	_ =	shalt  }
0x41: {  	_ =	shalt  }
0x42: {  	_ =	shalt  }
0x43: {  	_ =	shalt  }
0x44: {  	_ =	shalt  }
0x45: {  	_ =	shalt  }
0x46: {  	_ =	shalt  }
0x47: {  	_ =	shalt  }
0x48: {  	_ =	shalt  }
0x49: {  	_ =	shalt  }
0x4a: {  	_ =	shalt  }
0x4b: {  	_ =	shalt  }
0x4c: {  	_ =	shalt  }
0x4d: {  	_ =	shalt  }
0x4e: {  	_ =	shalt  }
0x4f: {  	_ =	shalt  }
0x50: {  	_ =	shalt  }
0x51: {  	_ =	shalt  }
0x52: {  	_ =	shalt  }
0x53: {  	_ =	shalt  }
0x54: {  	_ =	shalt  }
0x55: {  	_ =	shalt  }
0x56: {  	_ =	shalt  }
0x57: {  	_ =	shalt  }
0x58: {  	_ =	shalt  }
0x59: {  	_ =	shalt  }
0x5a: {  	_ =	shalt  }
0x5b: {  	_ =	shalt  }
0x5c: {  	_ =	shalt  }
0x5d: {  	_ =	shalt  }
0x5e: {  	_ =	shalt  }
0x5f: {  	_ =	shalt  }
0x60: {  	_ =	shalt  }
0x61: {  	_ =	shalt  }
0x62: {  	_ =	shalt  }
0x63: {  	_ =	shalt  }
0x64: {  	_ =	shalt  }
0x65: {  	_ =	shalt  }
0x66: {  	_ =	shalt  }
0x67: {  	_ =	shalt  }
0x68: {  	_ =	shalt  }
0x69: {  	_ =	shalt  }
0x6a: {  	_ =	shalt  }
0x6b: {  	_ =	shalt  }
0x6c: {  	_ =	shalt  }
0x6d: {  	_ =	shalt  }
0x6e: {  	_ =	shalt  }
0x6f: {  	_ =	shalt  }
0x70: {  	_ =	shalt  }
0x71: {  	_ =	shalt  }
0x72: {  	_ =	shalt  }
0x73: {  	_ =	shalt  }
0x74: {  	_ =	shalt  }
0x75: {  	_ =	shalt  }
0x76: {  	_ =	shalt  }
0x77: {  	_ =	shalt  }
0x78: {  	_ =	shalt  }
0x79: {  	_ =	shalt  }
0x7a: {  	_ =	shalt  }
0x7b: {  	_ =	shalt  }
0x7c: {  	_ =	shalt  }
0x7d: {  	_ =	shalt  }
0x7e: {  	_ =	shalt  }
0x7f: {  	_ =	shalt  }
0x80: {  	_ =	shalt  }
0x81: {  	_ =	shalt  }
0x82: {  	_ =	shalt  }
0x83: {  	_ =	shalt  }
0x84: {  	_ =	shalt  }
0x85: {  	_ =	shalt  }
0x86: {  	_ =	shalt  }
0x87: {  	_ =	shalt  }
.Lfunc_end0:
.L_simem_size_0:
called_computation.1_lowered:
.L_overlay_start_0:
0x88: {  	s2 =	sld [smem:$0x3FD9]  }
0x89: {  	s3 =	sld [smem:$0x3FFE];
	_ =	sdelay $0x1  }
0x8a: {  	s1 =	srdreg.scid  }
0x8b: {  	s0 =	sand.u32 $0x1, s1  }
0x8c: {  	s17 =	sshll.u32 s0, $0xA;
	s2 =	sadd.s32 s3, s2  }
0x8d: {  	s2 =	sadd.s32 s2, s17  }
0x8e: {  	[smem:$0x3FC5] =	sst s2  }
0x8f: {  	_ = 	snop  }
0x90: {  	s2 =	sld [smem:$0x3FD0];
	(tm) =	ssettm $0x1  }
0x91: {  	s18 =	sld [smem:$0x3FFB];
	_ =	sdelay $0x3  }
0x92: {  	_ =	strace s18  }
0x93: {  	s3 =	sld [smem:$0x3FFC];
	_ =	sdelay $0x3  }
0x94: {  	_ =	strace s3  }
0x95: {  	s3 =	sld [smem:$0x3FFD];
	_ =	sdelay $0x3  }
0x96: {  	_ =	strace s3  }
0x97: {  	_ =	strace $0x8FFFFFFF  }
0x98: {  	s19 =	sld [smem:$0x3FDB];
	_ =	sdelay $0x1  }
0x99: {  	s4 =	simm.s32 $_scs_section_size  }
0x9a: {  	s5 =	simm.s32 $_size__tile_overlayer_lowered;
	s6 =	simm.s32 $_tile_overlayer_lowered  }
0x9b: {  	s22 =	simm.s32 $0x1BFF;
	s21 =	sshll.u32 s6, $0x1;
	s3 =	sadd.s32 s4, s19  }
0x9c: {  	s7 =	simm.s32 $0x0;
	s20 =	sshll.u32 s5, $0x1;
	s5 =	sadd.s32 s21, s3  }
0x9d: {  	[timem:s7], [sflag:s22] =	dma.local [hbm:s5], s20  }
0x9e: {  	_ =	swait.ge [sflag:s22], s20  }
0x9f: {  	s4 =	ssub.s32 $0x0, s20;
	[sflag:s22] =	ssyncset.done $0x0  }
0xa0: {  	[sflag:s22] =	ssyncadd.s32 s4;
	_ =	sdelay $0x1  }
0xa1: {  	s23 =	simm.s32 $0x1B8B  }
0xa2: {  	_ =	swait.ge [sflag:s23], $0x1  }
0xa3: {  	[sflag:s23] =	ssyncset.done $0x0  }
0xa4: {  	s25 =	simm.s32 $0x1B8E;
	s24 =	sld [smem:$0x3FFE];
	[sflag:s23] =	ssyncadd.s32 $0xFFFFFFFF  }
0xa5: {  	s26 =	simm.s32 $execute0_lowered;
	[smem:$0x3FD2] =	sst s25  }
0xa6: {  	s5 =	sshll.u32 s26, $0x1;
	_ =	strace $0x80000046;
	[dreg:$0x1] =	wrdreg $0xFFFFFFFF  }
0xa7: {  	s28 =	simm.s32 $_size_execute0_lowered;
	s3 =	sadd.s32 s3, s5;
	[dreg:$0x0] =	wrdreg $0x0  }
0xa8: {  	s5 =	sshll.u32 s28, $0x1;
	[dreg:$0x2] =	wrdreg s3  }
0xa9: {  	[dreg:$0x3] =	wrdreg s5  }
0xaa: {  	[dreg:$0x4] =	wrdreg $0xC0  }
0xab: {  	_ =	task [dreg:s7], $0x5FFFF  }
0xac: {  	[dreg:$0x1] =	wrdreg $0xFFFFFFFF  }
0xad: {  	[dreg:$0x0] =	wrdreg $0x60  }
0xae: {  	[dreg:$0x2] =	wrdreg s24  }
0xaf: {  	[dreg:$0x3] =	wrdreg s2  }
0xb0: {  	[dreg:$0x4] =	wrdreg $0x9  }
0xb1: {  	_ =	task.clear_ibuf [dreg:s7], $0x5FFFF;
	_ =	strace $0x90000046  }
0xb2: {  	s29 =	simm.s32 $0x9;
	_ =	strace $0x80000048  }
0xb3: {  	_ =	swait.ge [sflag:s29], $0x1  }
0xb4: {  	[sflag:s29] =	ssyncadd.s32 $0xFFFFFFFF  }
0xb5: {  	_ =	strace $0x90000048  }
0xb6: {  	_ =	sfence  }
0xb7: {  	s30 =	sld [smem:$0x0];
	_ =	sdelay $0x2  }
0xb8: {  	s31 =	sshll.u32 s1, $0xD;
	s1 =	sshrl.u32 s1, $0x2  }
0xb9: {  	s3 =	sand.u32 $0x4000, s31;
	s1 =	sadd.s32 s1, s30  }
0xba: {  	s0 =	sor.u32 s3, s0;
	s1 =	sshll.u32 s1, $0x11  }
0xbb: {  	s0 =	sor.u32 s1, s0  }
0xbc: {  	s0 =	sadd.s32 $0x8F2B, s0  }
0xbd: {  	[sflag:s0] =	ssyncadd.remote.s32 $0x1  }
0xbe: {  	_ =	sfence.sel $0xFFFF  }
0xbf: {  	[dreg:$0x0] =	wrdreg $0xFFFFFFFF;
	(pc) =	sbr.abs _section_cstart, $3  }
0xc0: {  	[dreg:$0x1] =	wrdreg $0xFFFFFFFF  }
0xc1: {  	_ =	task.clear_ibuf [dreg:s7], $0x2FFFF;
	_ =	strace $0x9FFFFFFF  }
0xc2: {  	(tm) =	ssettm $0x7FFFFFFF  }
0xc3: {  	_ =	shalt  }
tec
execute0_lowered:
.L_overlay_start_1:
0x0: {  	(tag) =	ssettag $0x1  }
0x1: {  	s0 =	srdreg.scid  }
0x2: {  	s1 =	rddreg [dreg:$0x0];
	s3 =	stileid.u32  }
0x3: {  	s2 =	rddreg [dreg:$0x1];
	s15 =	simm.s32 $0x5;
	s16 =	simm.s32 $0x80  }
0x4: {  	s17 =	simm.s32 $0x6400;
	s18 =	simm.s32 $0x48;
	s19 =	simm.s32 $0x8400  }
0x5: {  	s21 =	simm.s32 $0x9600;
	s23 =	simm.s32 $0xB600;
	s24 =	simm.s32 $0x1  }
0x6: {  	s25 =	simm.s32 $0xC800;
	s29 =	simm.s32 $0x2;
	s30 =	simm.s32 $0xFA00  }
0x7: {  	s14 =	simm.s32 $0x4;
	s20 =	simm.s32 $0x0;
	s0 =	sand.u32 $0x1, s0  }
0x8: {  	s4 =	sshll.u32 s3, $0x8;
	s3 =	simm.s32 $0x0;
	s5 =	sshll.u32 s0, $0x7  }
0x9: {  	s28 =	sadd.s32 $0x19C00, s1;
	[smem:$0x7FF] =	sst s3;
	s4 =	sor.u32 s5, s4  }
0xa: {  	s0 =	ssub.s32 $0x2, s0;
	_ =	strace $0x80000047;
	s5 =	smul.u32 $0x19, s4  }
0xb: {  	[dreg:$0x3] =	wrdreg s28;
	s8 =	sshrl.u32 s0, $0x1;
	s6 =	smul.u32 $0x640, s4  }
0xc: {  	s9 =	smul.u32 $0x3200, s4;
	s0 =	ssub.s32 s0, s8;
	s10 =	sor.u32 $0x3, s4  }
0xd: {  	s13 =	smax.u32 s0, $0x1;
	s0 =	simm.s32 $0x3;
	s7 =	sadd.s32 s5, s1  }
0xe: {  	s5 =	sadd.s32 $0xF43000, s1;
	s6 =	sadd.s32 s2, s6;
	s31 =	sshrl.u32 s9, $0x3  }
0xf: {  	s9 =	sor.u32 $0x2, s4;
	s7 =	sadd.s32 $0xC00, s7;
	s1 =	sadd.s32 s2, s31  }
0x10: {  	s8 =	sadd.s32 $0x640, s6;
	s11 =	sadd.s32 $0x31380, s1;
	s12 =	sadd.s32 $0x319C0, s1  }
.LBB2_1:
0x11: {  	s1 =	rddreg [dreg:$0x3];
	s4 =	simm.s32 $0x12C00  }
0x12: {  	[tilespmem:s4], [sflag:$0x5] =	stream.linear.gather [hbm4b:s1+s3], $0x3200, $0x38;
	[tilespmem:$0x15E00] =	vst v63  }
0x13: {  	_ =	swait.ge [sflag:s15], $0x3200  }
0x14: {  	[sflag:s15] =	ssyncset.done $0x0  }
0x15: {  	[sflag:s15] =	ssyncadd.s32 $0xFFFFCE00  }
0x16: {  	[tilespmem:s3], [sflag:$0x5] =	stream.linear.gather [hbm4b:s7+s3], $0x6400, $0x38;
	[tilespmem:$0x15E00] =	vst v63  }
0x17: {  	_ =	swait.ge [sflag:s15], $0x6400  }
0x18: {  	[sflag:s15] =	ssyncset.done $0x0  }
0x19: {  	[sflag:s15] =	ssyncadd.s32 $0xFFFF9C00  }
0x1a: {  	[tilespmem:s17], [sflag:$0x1] =	stream.indirect.gather [hbm4b:s5+s16], $0x40, s3, s16, $0xb8;
	[tilespmem:$0x15E00] =	vst v63  }
0x1b: {  	_ = 	snop  }
0x1c: {  	[tilespmem:s19], [sflag:$0x1] =	stream.indirect.gather [hbm4b:s5+s18], $0x40, s16, s18, $0xb8;
	[tilespmem:$0x15E00] =	vst v63  }
0x1d: {  	s28 =	simm.s32 $0xC8  }
0x1e: {  	[tilespmem:s21], [sflag:$0x2] =	stream.indirect.gather [hbm4b:s5+s16], $0x40, s28, s16, $0xb8;
	[tilespmem:$0x15E00] =	vst v63  }
0x1f: {  	s31 =	simm.s32 $0x148  }
0x20: {  	[tilespmem:s23], [sflag:$0x2] =	stream.indirect.gather [hbm4b:s5+s18], $0x40, s31, s18, $0xb8;
	[tilespmem:$0x15E00] =	vst v63  }
0x21: {  	_ =	swait.ge [sflag:s24], $0x3200  }
0x22: {  	[sflag:s24] =	ssyncset.done $0x0  }
0x23: {  	s22 =	simm.s32 $0x0;
	[sflag:s24] =	ssyncadd.s32 $0xFFFFCE00  }
0x24: {  	v0 =	vld [tilespmem:s22+$0x6470]  }
0x25: {  	v1 =	vld [tilespmem:s22+$0x12C70]  }
0x26: {  	v2 =	vld [tilespmem:s22+$0x6400]  }
0x27: {  	v3 =	vld [tilespmem:s22+$0x12C00]  }
0x28: {  	v4 =	vld [tilespmem:s22+$0x6410]  }
0x29: {  	v5 =	vld [tilespmem:s22+$0x12C10]  }
0x2a: {  	v6 =	vld [tilespmem:s22+$0x6420]  }
0x2b: {  	v7 =	vld [tilespmem:s22+$0x6430]  }
0x2c: {  	v0 =	vadd.f32 v1, v0;
	v1 =	vld [tilespmem:s22+$0x12C20]  }
0x2d: {  	v8 =	vld [tilespmem:s22+$0x12C30]  }
0x2e: {  	v9 =	vld [tilespmem:s22+$0x12C40];
	v2 =	vadd.f32 v3, v2  }
0x2f: {  	[tilespmem:s22+$0xC870] =	vst v0;
	v0 =	vadd.f32 v5, v4;
	v5 =	vld [tilespmem:s22+$0x6440]  }
0x30: {  	v3 =	vld [tilespmem:s22+$0x12C50];
	[tilespmem:s22+$0xC800] =	vst v2  }
0x31: {  	v2 =	vld [tilespmem:s22+$0x6450];
	[tilespmem:s22+$0xC810] =	vst v0;
	v0 =	vadd.f32 v1, v6  }
0x32: {  	v4 =	vld [tilespmem:s22+$0x12C60];
	v6 =	vadd.f32 v8, v7  }
0x33: {  	s1 =	simm.s32 $0x80;
	[tilespmem:s22+$0xC820] =	vst v0;
	v0 =	vld [tilespmem:s22+$0x6460]  }
0x34: {  	s26 =	simm.s32 $0x400;
	v5 =	vadd.f32 v9, v5;
	v1 =	vld [tilespmem:s1+$0x6470];
	[tilespmem:s22+$0xC830] =	vst v6  }
.LBB2_2:
0x35: {  	p0 =	sne.s32 s26, $0xC600;
	v6 =	vld [tilespmem:s1+$0x12C70]  }
0x36: {  	v7 =	vld [tilespmem:s1+$0x6400];
	[tilespmem:s22+$0xC840] =	vst v5;
	v2 =	vadd.f32 v3, v2  }
0x37: {  	v3 =	vld [tilespmem:s1+$0x12C00]  }
0x38: {  	v5 =	vld [tilespmem:s1+$0x6410];
	[tilespmem:s22+$0xC850] =	vst v2;
	v0 =	vadd.f32 v4, v0  }
0x39: {  	v2 =	vld [tilespmem:s1+$0x12C10]  }
0x3a: {  	v4 =	vld [tilespmem:s1+$0x6420];
	v1 =	vadd.f32 v6, v1;
	[tilespmem:s22+$0xC860] =	vst v0;
	s22 =	smov.u32 s1  }
0x3b: {  	v0 =	vld [tilespmem:s22+$0x12C20]  }
0x3c: {  	v3 =	vadd.f32 v3, v7;
	v6 =	vld [tilespmem:s22+$0x6430];
	[tilespmem:s22+$0xC870] =	vst v1  }
0x3d: {  	v1 =	vld [tilespmem:s22+$0x12C30]  }
0x3e: {  	[tilespmem:s22+$0xC800] =	vst v3;
	v2 =	vadd.f32 v2, v5;
	v5 =	vld [tilespmem:s22+$0x6440]  }
0x3f: {  	v7 =	vld [tilespmem:s22+$0x12C40]  }
.Ltmp0:
0x40: {  	[tilespmem:s22+$0xC810] =	vst v2;
	v0 =	vadd.f32 v0, v4;
	v2 =	vld [tilespmem:s22+$0x6450];
	(pc) =	sbr.rel @p0 .LBB2_2-.Ltmp0, $4  }
0x41: {  	v3 =	vld [tilespmem:s22+$0x12C50]  }
0x42: {  	[tilespmem:s22+$0xC820] =	vst v0;
	v6 =	vadd.f32 v1, v6;
	v0 =	vld [tilespmem:s22+$0x6460]  }
0x43: {  	s1 =	sshra.s32 s26, $0x2;
	v4 =	vld [tilespmem:s22+$0x12C60]  }
0x44: {  	s26 =	sadd.s32 $0x200, s26;
	v1 =	vld [tilespmem:s1+$0x6470];
	[tilespmem:s22+$0xC830] =	vst v6;
	v5 =	vadd.f32 v7, v5  }
0x45: {  	v6 =	vld [tilespmem:s1+$0x12C70]  }
0x46: {  	v7 =	vld [tilespmem:s1+$0x6400];
	[tilespmem:s22+$0xC840] =	vst v5;
	v2 =	vadd.f32 v3, v2  }
0x47: {  	v3 =	vld [tilespmem:s1+$0x12C00]  }
0x48: {  	v5 =	vld [tilespmem:s1+$0x6410];
	[tilespmem:s22+$0xC850] =	vst v2;
	v0 =	vadd.f32 v4, v0  }
0x49: {  	v2 =	vld [tilespmem:s1+$0x12C10]  }
0x4a: {  	v4 =	vld [tilespmem:s1+$0x6420];
	[tilespmem:s22+$0xC860] =	vst v0  }
0x4b: {  	v0 =	vadd.f32 v6, v1;
	v1 =	vld [tilespmem:s1+$0x12C20]  }
0x4c: {  	v6 =	vld [tilespmem:s1+$0x6430]  }
0x4d: {  	v3 =	vadd.f32 v3, v7;
	[tilespmem:s1+$0xC870] =	vst v0;
	v0 =	vld [tilespmem:s1+$0x12C30]  }
0x4e: {  	v7 =	vld [tilespmem:s1+$0x12C60]  }
0x4f: {  	[tilespmem:s1+$0xC800] =	vst v3;
	v2 =	vadd.f32 v2, v5;
	v3 =	vld [tilespmem:s1+$0x6440]  }
0x50: {  	v5 =	vld [tilespmem:s1+$0x12C40]  }
0x51: {  	[tilespmem:s1+$0xC810] =	vst v2;
	v1 =	vadd.f32 v1, v4;
	v2 =	vld [tilespmem:s1+$0x6450]  }
0x52: {  	v4 =	vld [tilespmem:s1+$0x12C50]  }
0x53: {  	[tilespmem:s1+$0xC820] =	vst v1;
	v1 =	vld [tilespmem:s1+$0x6460];
	_ =	sdelay $0x1  }
0x54: {  	v0 =	vadd.f32 v0, v6  }
0x55: {  	v3 =	vadd.f32 v5, v3  }
0x56: {  	[tilespmem:s1+$0xC830] =	vst v0;
	v0 =	vadd.f32 v4, v2  }
0x57: {  	[tilespmem:s1+$0xC840] =	vst v3;
	v1 =	vadd.f32 v7, v1  }
0x58: {  	[tilespmem:s1+$0xC850] =	vst v0  }
0x59: {  	s26 =	simm.s32 $0x0;
	[tilespmem:s1+$0xC860] =	vst v1  }
0x5a: {  	[hbm4b:s6+s26] =	stream.linear.scatter [tilespmem:s25], [sflag:$0x3], $0x3200, $0x38;
	[tilespmem:$0x15E00] =	vst v63  }
0x5b: {  	s28 =	simm.s32 $0x190  }
0x5c: {  	[tilespmem:s17], [sflag:$0x1] =	stream.indirect.gather [hbm4b:s5+s16], $0x40, s28, s16, $0xb8;
	[tilespmem:$0x15E00] =	vst v63  }
0x5d: {  	s31 =	simm.s32 $0x210  }
0x5e: {  	[tilespmem:s19], [sflag:$0x1] =	stream.indirect.gather [hbm4b:s5+s18], $0x40, s31, s18, $0xb8;
	[tilespmem:$0x15E00] =	vst v63  }
0x5f: {  	_ =	swait.ge [sflag:s29], $0x3200  }
0x60: {  	[sflag:s29] =	ssyncset.done $0x0  }
0x61: {  	s22 =	simm.s32 $0x0;
	[sflag:s29] =	ssyncadd.s32 $0xFFFFCE00  }
0x62: {  	v0 =	vld [tilespmem:s22+$0x9670]  }
0x63: {  	v1 =	vld [tilespmem:s22+$0x12C70]  }
0x64: {  	v2 =	vld [tilespmem:s22+$0x9600]  }
0x65: {  	v3 =	vld [tilespmem:s22+$0x12C00]  }
0x66: {  	v4 =	vld [tilespmem:s22+$0x9610]  }
0x67: {  	v5 =	vld [tilespmem:s22+$0x12C10]  }
0x68: {  	v6 =	vld [tilespmem:s22+$0x9620]  }
0x69: {  	v7 =	vld [tilespmem:s22+$0x9630]  }
0x6a: {  	v0 =	vadd.f32 v1, v0;
	v1 =	vld [tilespmem:s22+$0x12C20]  }
0x6b: {  	v8 =	vld [tilespmem:s22+$0x12C30]  }
0x6c: {  	v9 =	vld [tilespmem:s22+$0x12C40];
	v2 =	vadd.f32 v3, v2  }
0x6d: {  	[tilespmem:s22+$0xFA70] =	vst v0;
	v0 =	vadd.f32 v5, v4;
	v5 =	vld [tilespmem:s22+$0x9640]  }
0x6e: {  	v3 =	vld [tilespmem:s22+$0x12C50];
	[tilespmem:s22+$0xFA00] =	vst v2  }
0x6f: {  	v2 =	vld [tilespmem:s22+$0x9650];
	[tilespmem:s22+$0xFA10] =	vst v0;
	v0 =	vadd.f32 v1, v6  }
0x70: {  	v4 =	vld [tilespmem:s22+$0x12C60];
	v6 =	vadd.f32 v8, v7  }
0x71: {  	s1 =	simm.s32 $0x80;
	[tilespmem:s22+$0xFA20] =	vst v0;
	v0 =	vld [tilespmem:s22+$0x9660]  }
0x72: {  	s26 =	simm.s32 $0x400;
	v5 =	vadd.f32 v9, v5;
	v1 =	vld [tilespmem:s1+$0x9670];
	[tilespmem:s22+$0xFA30] =	vst v6  }
.LBB2_4:
0x73: {  	p0 =	sne.s32 s26, $0xC600;
	v6 =	vld [tilespmem:s1+$0x12C70]  }
0x74: {  	v7 =	vld [tilespmem:s1+$0x9600];
	[tilespmem:s22+$0xFA40] =	vst v5;
	v2 =	vadd.f32 v3, v2  }
0x75: {  	v3 =	vld [tilespmem:s1+$0x12C00]  }
0x76: {  	v5 =	vld [tilespmem:s1+$0x9610];
	[tilespmem:s22+$0xFA50] =	vst v2;
	v0 =	vadd.f32 v4, v0  }
0x77: {  	v2 =	vld [tilespmem:s1+$0x12C10]  }
0x78: {  	v4 =	vld [tilespmem:s1+$0x9620];
	v1 =	vadd.f32 v6, v1;
	[tilespmem:s22+$0xFA60] =	vst v0;
	s22 =	smov.u32 s1  }
0x79: {  	v0 =	vld [tilespmem:s22+$0x12C20]  }
0x7a: {  	v3 =	vadd.f32 v3, v7;
	v6 =	vld [tilespmem:s22+$0x9630];
	[tilespmem:s22+$0xFA70] =	vst v1  }
0x7b: {  	v1 =	vld [tilespmem:s22+$0x12C30]  }
0x7c: {  	[tilespmem:s22+$0xFA00] =	vst v3;
	v2 =	vadd.f32 v2, v5;
	v5 =	vld [tilespmem:s22+$0x9640]  }
0x7d: {  	v7 =	vld [tilespmem:s22+$0x12C40]  }
.Ltmp1:
0x7e: {  	[tilespmem:s22+$0xFA10] =	vst v2;
	v0 =	vadd.f32 v0, v4;
	v2 =	vld [tilespmem:s22+$0x9650];
	(pc) =	sbr.rel @p0 .LBB2_4-.Ltmp1, $4  }
0x7f: {  	v3 =	vld [tilespmem:s22+$0x12C50]  }
0x80: {  	[tilespmem:s22+$0xFA20] =	vst v0;
	v6 =	vadd.f32 v1, v6;
	v0 =	vld [tilespmem:s22+$0x9660]  }
0x81: {  	s1 =	sshra.s32 s26, $0x2;
	v4 =	vld [tilespmem:s22+$0x12C60]  }
0x82: {  	s26 =	sadd.s32 $0x200, s26;
	v1 =	vld [tilespmem:s1+$0x9670];
	[tilespmem:s22+$0xFA30] =	vst v6;
	v5 =	vadd.f32 v7, v5  }
0x83: {  	v6 =	vld [tilespmem:s1+$0x12C70]  }
0x84: {  	v7 =	vld [tilespmem:s1+$0x9600];
	[tilespmem:s22+$0xFA40] =	vst v5;
	v2 =	vadd.f32 v3, v2  }
0x85: {  	v51 =	vld [tilespmem:s1+$0x12C00]  }
0x86: {  	v5 =	vld [tilespmem:s1+$0x9610];
	[tilespmem:s22+$0xFA50] =	vst v2;
	v0 =	vadd.f32 v4, v0  }
0x87: {  	v2 =	vld [tilespmem:s1+$0x12C10]  }
0x88: {  	v52 =	vld [tilespmem:s1+$0x9620];
	[tilespmem:s22+$0xFA60] =	vst v0  }
0x89: {  	v54 =	vld [tilespmem:s1+$0x12C20]  }
0x8a: {  	v55 =	vld [tilespmem:s1+$0x9630]  }
0x8b: {  	v56 =	vld [tilespmem:s1+$0x12C30]  }
0x8c: {  	v57 =	vld [tilespmem:s1+$0x9640]  }
0x8d: {  	v58 =	vld [tilespmem:s1+$0x12C40]  }
0x8e: {  	v59 =	vld [tilespmem:s1+$0x9650]  }
0x8f: {  	v53 =	vadd.f32 v6, v1;
	v60 =	vld [tilespmem:s1+$0x12C50]  }
0x90: {  	v61 =	vld [tilespmem:s1+$0x9660];
	v3 =	vadd.f32 v51, v7  }
0x91: {  	v62 =	vld [tilespmem:s1+$0x12C60];
	[tilespmem:s1+$0xFA70] =	vst v53;
	v2 =	vadd.f32 v2, v5  }
0x92: {  	[tilespmem:s1+$0xFA00] =	vst v3;
	v1 =	vadd.f32 v54, v52  }
0x93: {  	[tilespmem:s1+$0xFA10] =	vst v2;
	v0 =	vadd.f32 v56, v55  }
0x94: {  	v3 =	vadd.f32 v58, v57;
	[tilespmem:s1+$0xFA20] =	vst v1  }
0x95: {  	v63 =	vadd.f32 v60, v59;
	[tilespmem:s1+$0xFA30] =	vst v0  }
0x96: {  	[tilespmem:s1+$0xFA40] =	vst v3;
	v1 =	vadd.f32 v62, v61  }
0x97: {  	[tilespmem:s1+$0xFA50] =	vst v63  }
0x98: {  	s22 =	simm.s32 $0x0;
	[tilespmem:s1+$0xFA60] =	vst v1  }
0x99: {  	[hbm4b:s8+s22] =	stream.linear.scatter [tilespmem:s30], [sflag:$0x4], $0x3200, $0x38;
	[tilespmem:$0x15E00] =	vst v63  }
0x9a: {  	s28 =	simm.s32 $0x258  }
0x9b: {  	[tilespmem:s21], [sflag:$0x2] =	stream.indirect.gather [hbm4b:s5+s16], $0x40, s28, s16, $0xb8;
	[tilespmem:$0x15E00] =	vst v63  }
0x9c: {  	s31 =	simm.s32 $0x2D8  }
0x9d: {  	[tilespmem:s23], [sflag:$0x2] =	stream.indirect.gather [hbm4b:s5+s18], $0x40, s31, s18, $0xb8;
	[tilespmem:$0x15E00] =	vst v63  }
.LBB2_6:
0x9e: {  	_ =	swait.ge [sflag:s24], $0x3200  }
0x9f: {  	[sflag:s24] =	ssyncset.done $0x0  }
0xa0: {  	[sflag:s24] =	ssyncadd.s32 $0xFFFFCE00  }
0xa1: {  	_ =	swait.ge [sflag:s0], $0x3200  }
0xa2: {  	[sflag:s0] =	ssyncset.done $0x0  }
0xa3: {  	s26 =	simm.s32 $0x0;
	[sflag:s0] =	ssyncadd.s32 $0xFFFFCE00  }
0xa4: {  	v0 =	vld [tilespmem:s26+$0x6470]  }
0xa5: {  	v1 =	vld [tilespmem:s26+$0x12C70]  }
0xa6: {  	v2 =	vld [tilespmem:s26+$0x6400]  }
0xa7: {  	v3 =	vld [tilespmem:s26+$0x12C00]  }
0xa8: {  	v4 =	vld [tilespmem:s26+$0x6410]  }
0xa9: {  	v5 =	vld [tilespmem:s26+$0x12C10]  }
0xaa: {  	v6 =	vld [tilespmem:s26+$0x6420]  }
0xab: {  	v7 =	vld [tilespmem:s26+$0x6430]  }
0xac: {  	v0 =	vadd.f32 v1, v0;
	v1 =	vld [tilespmem:s26+$0x12C20]  }
0xad: {  	v8 =	vld [tilespmem:s26+$0x12C30]  }
0xae: {  	v9 =	vld [tilespmem:s26+$0x12C40];
	v2 =	vadd.f32 v3, v2  }
0xaf: {  	[tilespmem:s26+$0xC870] =	vst v0;
	v0 =	vadd.f32 v5, v4;
	v5 =	vld [tilespmem:s26+$0x6440]  }
0xb0: {  	v3 =	vld [tilespmem:s26+$0x12C50];
	[tilespmem:s26+$0xC800] =	vst v2  }
0xb1: {  	v2 =	vld [tilespmem:s26+$0x6450];
	[tilespmem:s26+$0xC810] =	vst v0;
	v0 =	vadd.f32 v1, v6  }
0xb2: {  	v4 =	vld [tilespmem:s26+$0x12C60];
	v6 =	vadd.f32 v8, v7  }
0xb3: {  	s28 =	simm.s32 $0x80;
	[tilespmem:s26+$0xC820] =	vst v0;
	v0 =	vld [tilespmem:s26+$0x6460]  }
0xb4: {  	s1 =	simm.s32 $0x400;
	v5 =	vadd.f32 v9, v5;
	v1 =	vld [tilespmem:s28+$0x6470];
	[tilespmem:s26+$0xC830] =	vst v6  }
.LBB2_7:
0xb5: {  	p0 =	sne.s32 s1, $0xC600;
	v6 =	vld [tilespmem:s28+$0x12C70]  }
0xb6: {  	v7 =	vld [tilespmem:s28+$0x6400];
	[tilespmem:s26+$0xC840] =	vst v5;
	v2 =	vadd.f32 v3, v2  }
0xb7: {  	v3 =	vld [tilespmem:s28+$0x12C00]  }
0xb8: {  	v5 =	vld [tilespmem:s28+$0x6410];
	[tilespmem:s26+$0xC850] =	vst v2;
	v0 =	vadd.f32 v4, v0  }
0xb9: {  	v2 =	vld [tilespmem:s28+$0x12C10]  }
0xba: {  	v4 =	vld [tilespmem:s28+$0x6420];
	v1 =	vadd.f32 v6, v1;
	[tilespmem:s26+$0xC860] =	vst v0;
	s26 =	smov.u32 s28  }
0xbb: {  	v0 =	vld [tilespmem:s26+$0x12C20]  }
0xbc: {  	v3 =	vadd.f32 v3, v7;
	v6 =	vld [tilespmem:s26+$0x6430];
	[tilespmem:s26+$0xC870] =	vst v1  }
0xbd: {  	v1 =	vld [tilespmem:s26+$0x12C30]  }
0xbe: {  	[tilespmem:s26+$0xC800] =	vst v3;
	v2 =	vadd.f32 v2, v5;
	v5 =	vld [tilespmem:s26+$0x6440]  }
0xbf: {  	v7 =	vld [tilespmem:s26+$0x12C40]  }
.Ltmp2:
0xc0: {  	[tilespmem:s26+$0xC810] =	vst v2;
	v0 =	vadd.f32 v0, v4;
	v2 =	vld [tilespmem:s26+$0x6450];
	(pc) =	sbr.rel @p0 .LBB2_7-.Ltmp2, $4  }
0xc1: {  	v3 =	vld [tilespmem:s26+$0x12C50]  }
0xc2: {  	[tilespmem:s26+$0xC820] =	vst v0;
	v6 =	vadd.f32 v1, v6;
	v0 =	vld [tilespmem:s26+$0x6460]  }
0xc3: {  	s28 =	sshra.s32 s1, $0x2;
	v4 =	vld [tilespmem:s26+$0x12C60]  }
0xc4: {  	s1 =	sadd.s32 $0x200, s1;
	v1 =	vld [tilespmem:s28+$0x6470];
	[tilespmem:s26+$0xC830] =	vst v6;
	v5 =	vadd.f32 v7, v5  }
0xc5: {  	v6 =	vld [tilespmem:s28+$0x12C70]  }
0xc6: {  	v7 =	vld [tilespmem:s28+$0x6400];
	[tilespmem:s26+$0xC840] =	vst v5;
	v2 =	vadd.f32 v3, v2  }
0xc7: {  	v3 =	vld [tilespmem:s28+$0x12C00]  }
0xc8: {  	v5 =	vld [tilespmem:s28+$0x6410];
	[tilespmem:s26+$0xC850] =	vst v2;
	v0 =	vadd.f32 v4, v0  }
0xc9: {  	v2 =	vld [tilespmem:s28+$0x12C10]  }
0xca: {  	v4 =	vld [tilespmem:s28+$0x6420];
	[tilespmem:s26+$0xC860] =	vst v0  }
0xcb: {  	v0 =	vadd.f32 v6, v1;
	v1 =	vld [tilespmem:s28+$0x12C20]  }
0xcc: {  	v6 =	vld [tilespmem:s28+$0x6430]  }
0xcd: {  	v3 =	vadd.f32 v3, v7;
	[tilespmem:s28+$0xC870] =	vst v0;
	v0 =	vld [tilespmem:s28+$0x12C30]  }
0xce: {  	v7 =	vld [tilespmem:s28+$0x12C60]  }
0xcf: {  	[tilespmem:s28+$0xC800] =	vst v3;
	v2 =	vadd.f32 v2, v5;
	v3 =	vld [tilespmem:s28+$0x6440]  }
0xd0: {  	v5 =	vld [tilespmem:s28+$0x12C40]  }
0xd1: {  	[tilespmem:s28+$0xC810] =	vst v2;
	v1 =	vadd.f32 v1, v4;
	v2 =	vld [tilespmem:s28+$0x6450]  }
0xd2: {  	v4 =	vld [tilespmem:s28+$0x12C50]  }
0xd3: {  	[tilespmem:s28+$0xC820] =	vst v1;
	v1 =	vld [tilespmem:s28+$0x6460];
	_ =	sdelay $0x1  }
0xd4: {  	v0 =	vadd.f32 v0, v6  }
0xd5: {  	s26 =	sshll.u32 s22, $0x1;
	v3 =	vadd.f32 v5, v3  }
0xd6: {  	s1 =	sadd.s32 s26, s9;
	[tilespmem:s28+$0xC830] =	vst v0;
	v0 =	vadd.f32 v4, v2  }
0xd7: {  	s1 =	smul.u32 $0x640, s1;
	[tilespmem:s28+$0xC840] =	vst v3;
	v1 =	vadd.f32 v7, v1  }
0xd8: {  	[tilespmem:s28+$0xC850] =	vst v0  }
0xd9: {  	s4 =	simm.s32 $0x0;
	s1 =	sadd.s32 s2, s1;
	[tilespmem:s28+$0xC860] =	vst v1;
	s28 =	smul.u32 $0x640, s22  }
0xda: {  	[hbm4b:s1+s4] =	stream.linear.scatter [tilespmem:s25], [sflag:$0x3], $0x3200, $0x38;
	[tilespmem:$0x15E00] =	vst v63  }
0xdb: {  	s28 =	sshra.s32 s28, $0x2  }
0xdc: {  	s4 =	sadd.s32 $0x320, s28  }
0xdd: {  	[tilespmem:s17], [sflag:$0x1] =	stream.indirect.gather [hbm4b:s5+s16], $0x40, s4, s16, $0xb8;
	[tilespmem:$0x15E00] =	vst v63  }
0xde: {  	s4 =	sadd.s32 $0x3A0, s28  }
0xdf: {  	[tilespmem:s19], [sflag:$0x1] =	stream.indirect.gather [hbm4b:s5+s18], $0x40, s4, s18, $0xb8;
	[tilespmem:$0x15E00] =	vst v63  }
0xe0: {  	_ =	swait.ge [sflag:s29], $0x3200  }
0xe1: {  	[sflag:s29] =	ssyncset.done $0x0  }
0xe2: {  	[sflag:s29] =	ssyncadd.s32 $0xFFFFCE00  }
0xe3: {  	_ =	swait.ge [sflag:s14], $0x3200  }
0xe4: {  	[sflag:s14] =	ssyncset.done $0x0  }
0xe5: {  	s31 =	simm.s32 $0x0;
	[sflag:s14] =	ssyncadd.s32 $0xFFFFCE00  }
0xe6: {  	v0 =	vld [tilespmem:s31+$0x9670]  }
0xe7: {  	v1 =	vld [tilespmem:s31+$0x12C70]  }
0xe8: {  	v2 =	vld [tilespmem:s31+$0x9600]  }
0xe9: {  	v3 =	vld [tilespmem:s31+$0x12C00]  }
0xea: {  	v4 =	vld [tilespmem:s31+$0x9610]  }
0xeb: {  	v5 =	vld [tilespmem:s31+$0x12C10]  }
0xec: {  	v6 =	vld [tilespmem:s31+$0x9620]  }
0xed: {  	v7 =	vld [tilespmem:s31+$0x9630]  }
0xee: {  	v0 =	vadd.f32 v1, v0;
	v1 =	vld [tilespmem:s31+$0x12C20]  }
0xef: {  	v8 =	vld [tilespmem:s31+$0x12C30]  }
0xf0: {  	v9 =	vld [tilespmem:s31+$0x12C40];
	v2 =	vadd.f32 v3, v2  }
0xf1: {  	[tilespmem:s31+$0xFA70] =	vst v0;
	v0 =	vadd.f32 v5, v4;
	v5 =	vld [tilespmem:s31+$0x9640]  }
0xf2: {  	v3 =	vld [tilespmem:s31+$0x12C50];
	[tilespmem:s31+$0xFA00] =	vst v2  }
0xf3: {  	v2 =	vld [tilespmem:s31+$0x9650];
	[tilespmem:s31+$0xFA10] =	vst v0;
	v0 =	vadd.f32 v1, v6  }
0xf4: {  	v4 =	vld [tilespmem:s31+$0x12C60];
	v6 =	vadd.f32 v8, v7  }
0xf5: {  	s1 =	simm.s32 $0x80;
	[tilespmem:s31+$0xFA20] =	vst v0;
	v0 =	vld [tilespmem:s31+$0x9660]  }
0xf6: {  	s4 =	simm.s32 $0x400;
	v5 =	vadd.f32 v9, v5;
	v1 =	vld [tilespmem:s1+$0x9670];
	[tilespmem:s31+$0xFA30] =	vst v6  }
.LBB2_9:
0xf7: {  	p0 =	sne.s32 s4, $0xC600;
	v6 =	vld [tilespmem:s1+$0x12C70]  }
0xf8: {  	v7 =	vld [tilespmem:s1+$0x9600];
	[tilespmem:s31+$0xFA40] =	vst v5;
	v2 =	vadd.f32 v3, v2  }
0xf9: {  	v3 =	vld [tilespmem:s1+$0x12C00]  }
0xfa: {  	v5 =	vld [tilespmem:s1+$0x9610];
	[tilespmem:s31+$0xFA50] =	vst v2;
	v0 =	vadd.f32 v4, v0  }
0xfb: {  	v2 =	vld [tilespmem:s1+$0x12C10]  }
0xfc: {  	v4 =	vld [tilespmem:s1+$0x9620];
	v1 =	vadd.f32 v6, v1;
	[tilespmem:s31+$0xFA60] =	vst v0;
	s31 =	smov.u32 s1  }
0xfd: {  	v0 =	vld [tilespmem:s31+$0x12C20]  }
0xfe: {  	v3 =	vadd.f32 v3, v7;
	v6 =	vld [tilespmem:s31+$0x9630];
	[tilespmem:s31+$0xFA70] =	vst v1  }
0xff: {  	v1 =	vld [tilespmem:s31+$0x12C30]  }
0x100: {  	[tilespmem:s31+$0xFA00] =	vst v3;
	v2 =	vadd.f32 v2, v5;
	v5 =	vld [tilespmem:s31+$0x9640]  }
0x101: {  	v7 =	vld [tilespmem:s31+$0x12C40]  }
.Ltmp3:
0x102: {  	[tilespmem:s31+$0xFA10] =	vst v2;
	v0 =	vadd.f32 v0, v4;
	v2 =	vld [tilespmem:s31+$0x9650];
	(pc) =	sbr.rel @p0 .LBB2_9-.Ltmp3, $4  }
0x103: {  	v3 =	vld [tilespmem:s31+$0x12C50]  }
0x104: {  	[tilespmem:s31+$0xFA20] =	vst v0;
	v6 =	vadd.f32 v1, v6;
	v0 =	vld [tilespmem:s31+$0x9660]  }
0x105: {  	s1 =	sshra.s32 s4, $0x2;
	v4 =	vld [tilespmem:s31+$0x12C60]  }
0x106: {  	s4 =	sadd.s32 $0x200, s4;
	v1 =	vld [tilespmem:s1+$0x9670];
	[tilespmem:s31+$0xFA30] =	vst v6;
	v5 =	vadd.f32 v7, v5  }
0x107: {  	v6 =	vld [tilespmem:s1+$0x12C70]  }
0x108: {  	v7 =	vld [tilespmem:s1+$0x9600];
	[tilespmem:s31+$0xFA40] =	vst v5;
	v2 =	vadd.f32 v3, v2  }
0x109: {  	v51 =	vld [tilespmem:s1+$0x12C00]  }
0x10a: {  	v5 =	vld [tilespmem:s1+$0x9610];
	[tilespmem:s31+$0xFA50] =	vst v2;
	v0 =	vadd.f32 v4, v0  }
0x10b: {  	v2 =	vld [tilespmem:s1+$0x12C10]  }
0x10c: {  	v52 =	vld [tilespmem:s1+$0x9620];
	[tilespmem:s31+$0xFA60] =	vst v0  }
0x10d: {  	v54 =	vld [tilespmem:s1+$0x12C20]  }
0x10e: {  	v55 =	vld [tilespmem:s1+$0x9630]  }
0x10f: {  	v56 =	vld [tilespmem:s1+$0x12C30]  }
0x110: {  	v57 =	vld [tilespmem:s1+$0x9640]  }
0x111: {  	v58 =	vld [tilespmem:s1+$0x12C40]  }
0x112: {  	v59 =	vld [tilespmem:s1+$0x9650]  }
0x113: {  	v53 =	vadd.f32 v6, v1;
	v60 =	vld [tilespmem:s1+$0x12C50]  }
0x114: {  	v61 =	vld [tilespmem:s1+$0x9660];
	v3 =	vadd.f32 v51, v7  }
0x115: {  	v62 =	vld [tilespmem:s1+$0x12C60];
	[tilespmem:s1+$0xFA70] =	vst v53;
	v2 =	vadd.f32 v2, v5  }
0x116: {  	[tilespmem:s1+$0xFA00] =	vst v3;
	v1 =	vadd.f32 v54, v52  }
0x117: {  	[tilespmem:s1+$0xFA10] =	vst v2;
	v0 =	vadd.f32 v56, v55  }
0x118: {  	v3 =	vadd.f32 v58, v57;
	[tilespmem:s1+$0xFA20] =	vst v1  }
0x119: {  	s4 =	sadd.s32 s26, s10;
	v63 =	vadd.f32 v60, v59;
	[tilespmem:s1+$0xFA30] =	vst v0  }
0x11a: {  	s4 =	smul.u32 $0x640, s4;
	[tilespmem:s1+$0xFA40] =	vst v3;
	v1 =	vadd.f32 v62, v61  }
0x11b: {  	s22 =	sadd.s32 $0x1, s22;
	[tilespmem:s1+$0xFA50] =	vst v63  }
0x11c: {  	p0 =	sne.s32 s22, $0x3E;
	s4 =	sadd.s32 s2, s4;
	[tilespmem:s1+$0xFA60] =	vst v1  }
0x11d: {  	[hbm4b:s4+s3] =	stream.linear.scatter [tilespmem:s30], [sflag:$0x4], $0x3200, $0x38;
	[tilespmem:$0x15E00] =	vst v63  }
.Ltmp4:
0x11e: {  	_ = 	snop;
	(pc) =	sbr.rel @p0 .LBB2_6-.Ltmp4, $4  }
0x11f: {  	s26 =	sadd.s32 $0x3E8, s28  }
0x120: {  	[tilespmem:s21], [sflag:$0x2] =	stream.indirect.gather [hbm4b:s5+s16], $0x40, s26, s16, $0xb8;
	[tilespmem:$0x15E00] =	vst v63  }
0x121: {  	s31 =	sadd.s32 $0x468, s28  }
0x122: {  	[tilespmem:s23], [sflag:$0x2] =	stream.indirect.gather [hbm4b:s5+s18], $0x40, s31, s18, $0xb8;
	[tilespmem:$0x15E00] =	vst v63  }
0x123: {  	_ =	swait.ge [sflag:s24], $0x3200  }
0x124: {  	[sflag:s24] =	ssyncset.done $0x0  }
0x125: {  	[sflag:s24] =	ssyncadd.s32 $0xFFFFCE00  }
0x126: {  	_ =	swait.ge [sflag:s0], $0x3200  }
0x127: {  	[sflag:s0] =	ssyncset.done $0x0  }
0x128: {  	s22 =	simm.s32 $0x0;
	[sflag:s0] =	ssyncadd.s32 $0xFFFFCE00  }
0x129: {  	v0 =	vld [tilespmem:s22+$0x6470]  }
0x12a: {  	v1 =	vld [tilespmem:s22+$0x12C70]  }
0x12b: {  	v2 =	vld [tilespmem:s22+$0x6400]  }
0x12c: {  	v3 =	vld [tilespmem:s22+$0x12C00]  }
0x12d: {  	v4 =	vld [tilespmem:s22+$0x6410]  }
0x12e: {  	v5 =	vld [tilespmem:s22+$0x12C10]  }
0x12f: {  	v6 =	vld [tilespmem:s22+$0x6420]  }
0x130: {  	v7 =	vld [tilespmem:s22+$0x6430]  }
0x131: {  	v0 =	vadd.f32 v1, v0;
	v1 =	vld [tilespmem:s22+$0x12C20]  }
0x132: {  	v8 =	vld [tilespmem:s22+$0x12C30]  }
0x133: {  	v9 =	vld [tilespmem:s22+$0x12C40];
	v2 =	vadd.f32 v3, v2  }
0x134: {  	[tilespmem:s22+$0xC870] =	vst v0;
	v0 =	vadd.f32 v5, v4;
	v5 =	vld [tilespmem:s22+$0x6440]  }
0x135: {  	v3 =	vld [tilespmem:s22+$0x12C50];
	[tilespmem:s22+$0xC800] =	vst v2  }
0x136: {  	v2 =	vld [tilespmem:s22+$0x6450];
	[tilespmem:s22+$0xC810] =	vst v0;
	v0 =	vadd.f32 v1, v6  }
0x137: {  	v4 =	vld [tilespmem:s22+$0x12C60];
	v6 =	vadd.f32 v8, v7  }
0x138: {  	s1 =	simm.s32 $0x80;
	[tilespmem:s22+$0xC820] =	vst v0;
	v0 =	vld [tilespmem:s22+$0x6460]  }
0x139: {  	s4 =	simm.s32 $0x400;
	v5 =	vadd.f32 v9, v5;
	v1 =	vld [tilespmem:s1+$0x6470];
	[tilespmem:s22+$0xC830] =	vst v6  }
.LBB2_12:
0x13a: {  	p0 =	sne.s32 s4, $0xC600;
	v6 =	vld [tilespmem:s1+$0x12C70]  }
0x13b: {  	v7 =	vld [tilespmem:s1+$0x6400];
	[tilespmem:s22+$0xC840] =	vst v5;
	v2 =	vadd.f32 v3, v2  }
0x13c: {  	v3 =	vld [tilespmem:s1+$0x12C00]  }
0x13d: {  	v5 =	vld [tilespmem:s1+$0x6410];
	[tilespmem:s22+$0xC850] =	vst v2;
	v0 =	vadd.f32 v4, v0  }
0x13e: {  	v2 =	vld [tilespmem:s1+$0x12C10]  }
0x13f: {  	v4 =	vld [tilespmem:s1+$0x6420];
	v1 =	vadd.f32 v6, v1;
	[tilespmem:s22+$0xC860] =	vst v0;
	s22 =	smov.u32 s1  }
0x140: {  	v0 =	vld [tilespmem:s22+$0x12C20]  }
0x141: {  	v3 =	vadd.f32 v3, v7;
	v6 =	vld [tilespmem:s22+$0x6430];
	[tilespmem:s22+$0xC870] =	vst v1  }
0x142: {  	v1 =	vld [tilespmem:s22+$0x12C30]  }
0x143: {  	[tilespmem:s22+$0xC800] =	vst v3;
	v2 =	vadd.f32 v2, v5;
	v5 =	vld [tilespmem:s22+$0x6440]  }
0x144: {  	v7 =	vld [tilespmem:s22+$0x12C40]  }
.Ltmp5:
0x145: {  	[tilespmem:s22+$0xC810] =	vst v2;
	v0 =	vadd.f32 v0, v4;
	v2 =	vld [tilespmem:s22+$0x6450];
	(pc) =	sbr.rel @p0 .LBB2_12-.Ltmp5, $4  }
0x146: {  	v3 =	vld [tilespmem:s22+$0x12C50]  }
0x147: {  	[tilespmem:s22+$0xC820] =	vst v0;
	v6 =	vadd.f32 v1, v6;
	v0 =	vld [tilespmem:s22+$0x6460]  }
0x148: {  	s1 =	sshra.s32 s4, $0x2;
	v4 =	vld [tilespmem:s22+$0x12C60]  }
0x149: {  	s4 =	sadd.s32 $0x200, s4;
	v1 =	vld [tilespmem:s1+$0x6470];
	[tilespmem:s22+$0xC830] =	vst v6;
	v5 =	vadd.f32 v7, v5  }
0x14a: {  	v6 =	vld [tilespmem:s1+$0x12C70]  }
0x14b: {  	v7 =	vld [tilespmem:s1+$0x6400];
	[tilespmem:s22+$0xC840] =	vst v5;
	v2 =	vadd.f32 v3, v2  }
0x14c: {  	v3 =	vld [tilespmem:s1+$0x12C00]  }
0x14d: {  	v5 =	vld [tilespmem:s1+$0x6410];
	[tilespmem:s22+$0xC850] =	vst v2;
	v0 =	vadd.f32 v4, v0  }
0x14e: {  	v2 =	vld [tilespmem:s1+$0x12C10]  }
0x14f: {  	v4 =	vld [tilespmem:s1+$0x6420];
	[tilespmem:s22+$0xC860] =	vst v0  }
0x150: {  	v0 =	vadd.f32 v6, v1;
	v1 =	vld [tilespmem:s1+$0x12C20]  }
0x151: {  	v6 =	vld [tilespmem:s1+$0x6430]  }
0x152: {  	v3 =	vadd.f32 v3, v7;
	[tilespmem:s1+$0xC870] =	vst v0;
	v0 =	vld [tilespmem:s1+$0x12C30]  }
0x153: {  	v7 =	vld [tilespmem:s1+$0x12C60]  }
0x154: {  	[tilespmem:s1+$0xC800] =	vst v3;
	v2 =	vadd.f32 v2, v5;
	v3 =	vld [tilespmem:s1+$0x6440]  }
0x155: {  	v5 =	vld [tilespmem:s1+$0x12C40]  }
0x156: {  	[tilespmem:s1+$0xC810] =	vst v2;
	v1 =	vadd.f32 v1, v4;
	v2 =	vld [tilespmem:s1+$0x6450]  }
0x157: {  	v4 =	vld [tilespmem:s1+$0x12C50]  }
0x158: {  	[tilespmem:s1+$0xC820] =	vst v1;
	v1 =	vld [tilespmem:s1+$0x6460];
	_ =	sdelay $0x1  }
0x159: {  	v0 =	vadd.f32 v0, v6  }
0x15a: {  	v3 =	vadd.f32 v5, v3  }
0x15b: {  	[tilespmem:s1+$0xC830] =	vst v0;
	v0 =	vadd.f32 v4, v2  }
0x15c: {  	[tilespmem:s1+$0xC840] =	vst v3;
	v1 =	vadd.f32 v7, v1  }
0x15d: {  	[tilespmem:s1+$0xC850] =	vst v0  }
0x15e: {  	s31 =	simm.s32 $0x0;
	[tilespmem:s1+$0xC860] =	vst v1  }
0x15f: {  	[hbm4b:s11+s31] =	stream.linear.scatter [tilespmem:s25], [sflag:$0x3], $0x3200, $0x38;
	[tilespmem:$0x15E00] =	vst v63  }
0x160: {  	_ =	swait.ge [sflag:s29], $0x3200  }
0x161: {  	[sflag:s29] =	ssyncset.done $0x0  }
0x162: {  	[sflag:s29] =	ssyncadd.s32 $0xFFFFCE00  }
0x163: {  	_ =	swait.ge [sflag:s14], $0x3200  }
0x164: {  	[sflag:s14] =	ssyncset.done $0x0  }
0x165: {  	s22 =	simm.s32 $0x0;
	[sflag:s14] =	ssyncadd.s32 $0xFFFFCE00  }
0x166: {  	v0 =	vld [tilespmem:s22+$0x9670]  }
0x167: {  	v1 =	vld [tilespmem:s22+$0x12C70]  }
0x168: {  	v2 =	vld [tilespmem:s22+$0x9600]  }
0x169: {  	v3 =	vld [tilespmem:s22+$0x12C00]  }
0x16a: {  	v4 =	vld [tilespmem:s22+$0x9610]  }
0x16b: {  	v5 =	vld [tilespmem:s22+$0x12C10]  }
0x16c: {  	v6 =	vld [tilespmem:s22+$0x9620]  }
0x16d: {  	v7 =	vld [tilespmem:s22+$0x9630]  }
0x16e: {  	v0 =	vadd.f32 v1, v0;
	v1 =	vld [tilespmem:s22+$0x12C20]  }
0x16f: {  	v8 =	vld [tilespmem:s22+$0x12C30]  }
0x170: {  	v9 =	vld [tilespmem:s22+$0x12C40];
	v2 =	vadd.f32 v3, v2  }
0x171: {  	[tilespmem:s22+$0xFA70] =	vst v0;
	v0 =	vadd.f32 v5, v4;
	v5 =	vld [tilespmem:s22+$0x9640]  }
0x172: {  	v3 =	vld [tilespmem:s22+$0x12C50];
	[tilespmem:s22+$0xFA00] =	vst v2  }
0x173: {  	v2 =	vld [tilespmem:s22+$0x9650];
	[tilespmem:s22+$0xFA10] =	vst v0;
	v0 =	vadd.f32 v1, v6  }
0x174: {  	v4 =	vld [tilespmem:s22+$0x12C60];
	v6 =	vadd.f32 v8, v7  }
0x175: {  	s1 =	simm.s32 $0x80;
	[tilespmem:s22+$0xFA20] =	vst v0;
	v0 =	vld [tilespmem:s22+$0x9660]  }
0x176: {  	s4 =	simm.s32 $0x400;
	v5 =	vadd.f32 v9, v5;
	v1 =	vld [tilespmem:s1+$0x9670];
	[tilespmem:s22+$0xFA30] =	vst v6  }
.LBB2_14:
0x177: {  	p0 =	sne.s32 s4, $0xC600;
	v6 =	vld [tilespmem:s1+$0x12C70]  }
0x178: {  	v7 =	vld [tilespmem:s1+$0x9600];
	[tilespmem:s22+$0xFA40] =	vst v5;
	v2 =	vadd.f32 v3, v2  }
0x179: {  	v3 =	vld [tilespmem:s1+$0x12C00]  }
0x17a: {  	v5 =	vld [tilespmem:s1+$0x9610];
	[tilespmem:s22+$0xFA50] =	vst v2;
	v0 =	vadd.f32 v4, v0  }
0x17b: {  	v2 =	vld [tilespmem:s1+$0x12C10]  }
0x17c: {  	v4 =	vld [tilespmem:s1+$0x9620];
	v1 =	vadd.f32 v6, v1;
	[tilespmem:s22+$0xFA60] =	vst v0;
	s22 =	smov.u32 s1  }
0x17d: {  	v0 =	vld [tilespmem:s22+$0x12C20]  }
0x17e: {  	v3 =	vadd.f32 v3, v7;
	v6 =	vld [tilespmem:s22+$0x9630];
	[tilespmem:s22+$0xFA70] =	vst v1  }
0x17f: {  	v1 =	vld [tilespmem:s22+$0x12C30]  }
0x180: {  	[tilespmem:s22+$0xFA00] =	vst v3;
	v2 =	vadd.f32 v2, v5;
	v5 =	vld [tilespmem:s22+$0x9640]  }
0x181: {  	v7 =	vld [tilespmem:s22+$0x12C40]  }
.Ltmp6:
0x182: {  	[tilespmem:s22+$0xFA10] =	vst v2;
	v0 =	vadd.f32 v0, v4;
	v2 =	vld [tilespmem:s22+$0x9650];
	(pc) =	sbr.rel @p0 .LBB2_14-.Ltmp6, $4  }
0x183: {  	v3 =	vld [tilespmem:s22+$0x12C50]  }
0x184: {  	[tilespmem:s22+$0xFA20] =	vst v0;
	v6 =	vadd.f32 v1, v6;
	v0 =	vld [tilespmem:s22+$0x9660]  }
0x185: {  	s1 =	sshra.s32 s4, $0x2;
	v4 =	vld [tilespmem:s22+$0x12C60]  }
0x186: {  	s4 =	sadd.s32 $0x200, s4;
	v1 =	vld [tilespmem:s1+$0x9670];
	[tilespmem:s22+$0xFA30] =	vst v6;
	v5 =	vadd.f32 v7, v5  }
0x187: {  	v6 =	vld [tilespmem:s1+$0x12C70]  }
0x188: {  	v7 =	vld [tilespmem:s1+$0x9600];
	[tilespmem:s22+$0xFA40] =	vst v5;
	v2 =	vadd.f32 v3, v2  }
0x189: {  	v51 =	vld [tilespmem:s1+$0x12C00]  }
0x18a: {  	v5 =	vld [tilespmem:s1+$0x9610];
	[tilespmem:s22+$0xFA50] =	vst v2;
	v0 =	vadd.f32 v4, v0  }
0x18b: {  	v2 =	vld [tilespmem:s1+$0x12C10]  }
0x18c: {  	v52 =	vld [tilespmem:s1+$0x9620];
	[tilespmem:s22+$0xFA60] =	vst v0  }
0x18d: {  	v54 =	vld [tilespmem:s1+$0x12C20]  }
0x18e: {  	v55 =	vld [tilespmem:s1+$0x9630]  }
0x18f: {  	v56 =	vld [tilespmem:s1+$0x12C30]  }
0x190: {  	v57 =	vld [tilespmem:s1+$0x9640]  }
0x191: {  	v58 =	vld [tilespmem:s1+$0x12C40]  }
0x192: {  	v59 =	vld [tilespmem:s1+$0x9650]  }
0x193: {  	v53 =	vadd.f32 v6, v1;
	v60 =	vld [tilespmem:s1+$0x12C50]  }
0x194: {  	v61 =	vld [tilespmem:s1+$0x9660];
	v3 =	vadd.f32 v51, v7  }
0x195: {  	v62 =	vld [tilespmem:s1+$0x12C60];
	[tilespmem:s1+$0xFA70] =	vst v53;
	v2 =	vadd.f32 v2, v5  }
0x196: {  	[tilespmem:s1+$0xFA00] =	vst v3;
	v1 =	vadd.f32 v54, v52  }
0x197: {  	[tilespmem:s1+$0xFA10] =	vst v2;
	v0 =	vadd.f32 v56, v55  }
0x198: {  	v3 =	vadd.f32 v58, v57;
	[tilespmem:s1+$0xFA20] =	vst v1  }
0x199: {  	v63 =	vadd.f32 v60, v59;
	[tilespmem:s1+$0xFA30] =	vst v0  }
0x19a: {  	[tilespmem:s1+$0xFA40] =	vst v3;
	v1 =	vadd.f32 v62, v61  }
0x19b: {  	[tilespmem:s1+$0xFA50] =	vst v63  }
0x19c: {  	s20 =	sadd.s32 $0x1, s20;
	[tilespmem:s1+$0xFA60] =	vst v1  }
0x19d: {  	[hbm4b:s12+s3] =	stream.linear.scatter [tilespmem:s30], [sflag:$0x4], $0x3200, $0x38;
	[tilespmem:$0x15E00] =	vst v63  }
0x19e: {  	p0 =	sne.s32 s20, s13;
	_ =	swait.ge [sflag:s0], $0x3200  }
.Ltmp7:
0x19f: {  	[sflag:s0] =	ssyncset.done $0x0;
	(pc) =	sbr.rel @p0 .LBB2_1-.Ltmp7, $4  }
0x1a0: {  	[sflag:s0] =	ssyncadd.s32 $0xFFFFCE00  }
0x1a1: {  	_ =	swait.ge [sflag:s14], $0x3200  }
0x1a2: {  	[sflag:s14] =	ssyncset.done $0x0  }
0x1a3: {  	[sflag:s14] =	ssyncadd.s32 $0xFFFFCE00  }
0x1a4: {  	_ =	sfence.sel $0x180000  }
0x1a5: {  	[bflag:$0x0] =	sbarrier.arrive $0xFFFF  }
0x1a6: {  	_ =	strace $0x90000047  }
0x1a7: {  	s0 =	stileid.u32;
	[bflag:$0x2] =	sbarrier.arrive $0xFFFF  }
0x1a8: {  	p0 =	sne.s32 s0, $0x0;
	s0 =	rddreg [dreg:$0x2]  }
0x1a9: {  	s0 =	sadd.s32 @!p0 $0x100000, s0  }
0x1aa: {  	[sflag:s0] =	ssyncadd.tile.s32 @!p0 $0x1;
	_ =	shalt  }
.Lfunc_end2:
_tile_overlayer_lowered:
.L_overlay_start_2:
0x1ab: {  	(tag) =	ssettag $0x2  }
0x1ac: {  	s0 =	rddreg [dreg:$0x0];
	s2 =	stileid.u32  }
0x1ad: {  	s1 =	rddreg [dreg:$0x1];
	p0 =	sne.s32 s2, $0x0  }
0x1ae: {  	s3 =	rddreg [dreg:$0x2];
	[bflag:$0x3] =	sbarrier.arrive $0xFFFF;
	s2 =	simm.s32 @!p0 $0x1C05  }
0x1af: {  	[timem:s3], [sflag:s2] =	dma.local @!p0 [hbm:s0], s1  }
0x1b0: {  	s0 =	simm.s32 @!p0 $0x5  }
0x1b1: {  	_ =	swait.ge @!p0 [sflag:s0], s1  }
0x1b2: {  	s1 =	ssub.s32 @!p0 $0x0, s1;
	[sflag:s0] =	ssyncset.done @!p0 $0x0  }
0x1b3: {  	[sflag:s0] =	ssyncadd.s32 @!p0 s1  }
0x1b4: {  	[bflag:$0x3] =	sbarrier.arrive $0xFFFF  }
0x1b5: {  	_ =	shalt  }

// kernel: sparse-core-data-format-call.cloned.1.call-start
scs
called_computation_lowered:
.L_overlay_start_0:
0x0: {  	s2 =	sld [smem:$0x3FD9]  }
0x1: {  	s3 =	sld [smem:$0x3FFE];
	_ =	sdelay $0x1  }
0x2: {  	s1 =	srdreg.scid  }
0x3: {  	s0 =	sand.u32 $0x1, s1  }
0x4: {  	s18 =	sshll.u32 s0, $0xA;
	s2 =	sadd.s32 s3, s2  }
0x5: {  	s2 =	sadd.s32 s2, s18  }
0x6: {  	[smem:$0x3FC5] =	sst s2  }
0x7: {  	_ = 	snop  }
0x8: {  	s2 =	sld [smem:$0x3FD0];
	(tm) =	ssettm $0x1  }
0x9: {  	s19 =	sld [smem:$0x3FFB];
	_ =	sdelay $0x3  }
0xa: {  	_ =	strace s19  }
0xb: {  	s3 =	sld [smem:$0x3FFC];
	_ =	sdelay $0x3  }
0xc: {  	_ =	strace s3  }
0xd: {  	s3 =	sld [smem:$0x3FFD];
	_ =	sdelay $0x3  }
0xe: {  	_ =	strace s3  }
0xf: {  	_ =	strace $0x8FFFFFFF  }
0x10: {  	s20 =	sld [smem:$0x3FDB];
	_ =	sdelay $0x1  }
0x11: {  	s4 =	simm.s32 $_scs_section_size  }
0x12: {  	s5 =	simm.s32 $_size__tile_overlayer_lowered;
	s6 =	simm.s32 $_tile_overlayer_lowered  }
0x13: {  	s23 =	simm.s32 $0x1BFF;
	s22 =	sshll.u32 s6, $0x1;
	s3 =	sadd.s32 s4, s20  }
0x14: {  	s7 =	simm.s32 $0x0;
	s21 =	sshll.u32 s5, $0x1;
	s5 =	sadd.s32 s22, s3  }
0x15: {  	[timem:s7], [sflag:s23] =	dma.local [hbm:s5], s21  }
0x16: {  	_ =	swait.ge [sflag:s23], s21  }
0x17: {  	s4 =	ssub.s32 $0x0, s21;
	[sflag:s23] =	ssyncset.done $0x0  }
0x18: {  	[sflag:s23] =	ssyncadd.s32 s4;
	_ =	sdelay $0x1  }
0x19: {  	s24 =	simm.s32 $0x1B8B  }
0x1a: {  	_ =	swait.ge [sflag:s24], $0x1  }
0x1b: {  	[sflag:s24] =	ssyncset.done $0x0  }
0x1c: {  	s26 =	simm.s32 $0x1B8E;
	s25 =	sld [smem:$0x3FFE];
	[sflag:s24] =	ssyncadd.s32 $0xFFFFFFFF  }
0x1d: {  	s27 =	simm.s32 $execute0_lowered;
	[smem:$0x3FD2] =	sst s26  }
0x1e: {  	s5 =	sshll.u32 s27, $0x1;
	_ =	strace $0x80000049;
	[dreg:$0x1] =	wrdreg $0xFFFFFFFF  }
0x1f: {  	s28 =	simm.s32 $_size_execute0_lowered;
	s3 =	sadd.s32 s3, s5;
	[dreg:$0x0] =	wrdreg $0x0  }
0x20: {  	s5 =	sshll.u32 s28, $0x1;
	[dreg:$0x2] =	wrdreg s3  }
0x21: {  	[dreg:$0x3] =	wrdreg s5  }
0x22: {  	[dreg:$0x4] =	wrdreg $0xC0  }
0x23: {  	_ =	task [dreg:s7], $0x5FFFF  }
0x24: {  	[dreg:$0x1] =	wrdreg $0xFFFFFFFF  }
0x25: {  	[dreg:$0x0] =	wrdreg $0x60  }
0x26: {  	[dreg:$0x2] =	wrdreg s25  }
0x27: {  	[dreg:$0x3] =	wrdreg s2  }
0x28: {  	[dreg:$0x4] =	wrdreg $0x9  }
0x29: {  	_ =	task.clear_ibuf [dreg:s7], $0x5FFFF;
	_ =	strace $0x90000049  }
0x2a: {  	s29 =	simm.s32 $0x9;
	_ =	strace $0x8000004B  }
0x2b: {  	_ =	swait.ge [sflag:s29], $0x1  }
0x2c: {  	[sflag:s29] =	ssyncadd.s32 $0xFFFFFFFF  }
0x2d: {  	_ =	strace $0x9000004B  }
0x2e: {  	_ =	sfence  }
0x2f: {  	s30 =	sld [smem:$0x0];
	_ =	sdelay $0x2  }
0x30: {  	s31 =	sshll.u32 s1, $0xD;
	s1 =	sshrl.u32 s1, $0x2  }
0x31: {  	s3 =	sand.u32 $0x4000, s31;
	s1 =	sadd.s32 s1, s30  }
0x32: {  	s0 =	sor.u32 s3, s0;
	s1 =	sshll.u32 s1, $0x11  }
0x33: {  	s0 =	sor.u32 s1, s0  }
0x34: {  	s0 =	sadd.s32 $0x8F2B, s0  }
0x35: {  	[sflag:s0] =	ssyncadd.remote.s32 $0x1  }
0x36: {  	_ =	sfence.sel $0xFFFF  }
0x37: {  	[dreg:$0x0] =	wrdreg $0xFFFFFFFF;
	(pc) =	sbr.abs _section_cstart, $3  }
0x38: {  	[dreg:$0x1] =	wrdreg $0xFFFFFFFF  }
0x39: {  	_ =	task.clear_ibuf [dreg:s7], $0x2FFFF;
	_ =	strace $0x9FFFFFFF  }
0x3a: {  	(tm) =	ssettm $0x7FFFFFFF  }
0x3b: {  	_ =	shalt  }
tec
execute0_lowered:
.L_overlay_start_1:
0x0: {  	(tag) =	ssettag $0x1  }
0x1: {  	s0 =	srdreg.scid  }
0x2: {  	s1 =	sshll.u32 s0, $0x4  }
0x3: {  	s0 =	stileid.u32;
	s1 =	sand.u32 $0x10, s1  }
0x4: {  	s1 =	sor.u32 s0, s1  }
0x5: {  	s6 =	rddreg [dreg:$0x0];
	s4 =	simm.s32 $0x1;
	s2 =	sshll.u32 s1, $0x7  }
0x6: {  	s7 =	simm.s32 $0x2;
	s12 =	simm.s32 $0x0;
	s1 =	ssub.s32 $0x1000, s2  }
0x7: {  	s8 =	simm.s32 $0x8000;
	s13 =	simm.s32 $0x0;
	s3 =	sand.u32 $0xF80, s1  }
0x8: {  	s9 =	simm.s32 $0x0;
	s5 =	sshrl.u32 s1, $0xC;
	p0 =	sne.s32 s3, $0x0  }
.Ltmp0:
0x9: {  	s1 =	rddreg [dreg:$0x2];
	s4 =	simm.s32 @!p0 $0x0;
	(pc) =	sbr.rel .LBB1_1-.Ltmp0, $4  }
0xa: {  	s11 =	simm.s32 $0x0;
	s3 =	rddreg [dreg:$0x1];
	s5 =	sadd.s32 s4, s5  }
0xb: {  	_ =	strace $0x8000004A;
	s4 =	simm.s32 $0x1;
	s5 =	smul.u32 $0x64, s5  }
0xc: {  	s6 =	sadd.s32 $0xC00, s6;
	s10 =	smov.u32 s2;
	[sflag:s4] =	ssyncpa.u1 $0x0  }
0xd: {  	p0 =	por $0x0, $0x0;
	[sflag:s7] =	ssyncpa.u1 $0x0;
	s7 =	sor.u32 $0x1, s5  }
.LBB1_4:
0xe: {  	v5 =	vld [tilespmem:s17+$0xFFFFFFD0];
	[tilespmem:s16+$0x2040 ss:$0x81] =	vst.msk $0xffff, v1  }
0xf: {  	v58 =	vld [tilespmem:s17+$0xFFFFFFE0];
	[tilespmem:s16+$0x2850 ss:$0x81] =	vst.msk $0xffff, v2  }
0x10: {  	s18 =	sshra.s32 s18, $0x2;
	v59 =	vld [tilespmem:s17+$0xFFFFFFF0];
	[tilespmem:s16+$0x3060 ss:$0x81] =	vst.msk $0xffff, v3  }
0x11: {  	v60 =	vld [tilespmem:s17+$0x0];
	[tilespmem:s16+$0x0 ss:$0x81] =	vst.msk $0xffff, v0;
	s15 =	sadd.s32 s18, s15  }
0x12: {  	v61 =	vld [tilespmem:s17+$0x10];
	[tilespmem:s15+$0x3870 ss:$0x81] =	vst.msk $0xffff, v4  }
0x13: {  	v62 =	vld [tilespmem:s17+$0x20];
	[tilespmem:s15+$0x810 ss:$0x81] =	vst.msk $0xffff, v5  }
0x14: {  	v63 =	vld [tilespmem:s17+$0xFFFFFFC0];
	[tilespmem:s15+$0x1020 ss:$0x81] =	vst.msk $0xffff, v58  }
0x15: {  	s28 =	sshll.u32 s13, $0x3;
	s29 =	sand.u32 $0x78, s13;
	[tilespmem:s15+$0x1830 ss:$0x81] =	vst.msk $0xffff, v59  }
0x16: {  	s30 =	sand.u32 $0xFE00, s13;
	s12 =	sshll.u32 s12, $0x10;
	s16 =	sand.u32 $0xC00, s28;
	[tilespmem:s15+$0x2040 ss:$0x81] =	vst.msk $0xffff, v60  }
0x17: {  	s31 =	sand.u32 $0x7, s13;
	s17 =	sadd.s32 s3, s30;
	s16 =	sor.u32 s29, s16;
	[tilespmem:s15+$0x2850 ss:$0x81] =	vst.msk $0xffff, v61  }
0x18: {  	s13 =	sshll.u32 s31, $0x12;
	s12 =	sadd.s32 s12, s17;
	s16 =	sshrl.u32 s16, $0x3;
	[tilespmem:s15+$0x3060 ss:$0x81] =	vst.msk $0xffff, v62  }
0x19: {  	s13 =	sor.u32 $0x400, s13;
	s12 =	sadd.s32 s16, s12;
	[tilespmem:s15+$0x0 ss:$0x81] =	vst.msk $0xffff, v63  }
0x1a: {  	[hbm4b:s12+s13] =	stream.strided.scatter [tilespmem:s14], [sflag:$0x2], $0x4000, s8, s13, $0x20;
	[tilespmem:$0x10100] =	vst v63  }
.LBB1_5:
0x1b: {  	s14 =	sadd.s32 $0x1, s9  }
0x1c: {  	s12 =	sadd.s32 $0x1000, s10;
	s16 =	smov.u32 s10;
	p2 =	sgt.s32 s14, $0x63  }
0x1d: {  	s16 =	smov.u32 @p2 s12  }
0x1e: {  	s14 =	simm.s32 @p2 $0x0;
	p2 =	sgt.s32 s16, $0xFFF  }
0x1f: {  	s16 =	smov.u32 @p2 s2;
	p2 =	sne.s32 s11, s7  }
.Ltmp1:
0x20: {  	p1 =	slt.u32 s11, $0x2;
	(pc) =	sbr.rel @!p2 .LBB1_6-.Ltmp1, $4  }
0x21: {  	s15 =	simm.s32 @!p1 $0x2  }
0x22: {  	s13 =	smov.u32 s10;
	p0 =	por !p0, !p0;
	_ =	swait.ge @!p1 [sflag:s15], $0x4000  }
0x23: {  	s12 =	smov.u32 s9;
	[sflag:s15] =	ssyncset.done @!p1 $0x0;
	s9 =	smov.u32 s14  }
0x24: {  	s11 =	sadd.s32 $0x1, s11;
	[sflag:s15] =	ssyncadd.s32 @!p1 $0xFFFFC000;
	s10 =	smov.u32 s16  }
.LBB1_1:
0x25: {  	p1 =	sge.u32 s11, s5  }
0x26: {  	s14 =	sand.u32 @!p1 $0x1FFFFFF, s9  }
0x27: {  	s15 =	smulhi.u32 @!p1 $0x2762763, s14;
	_ =	sdelay $0x1  }
0x28: {  	s15 =	smul.u32 @!p1 $0x68, s15  }
0x29: {  	s16 =	sxor.u32 @!p1 $0xFFFFFFFF, s11;
	s17 =	smul.u32 @!p1 $0x680, s10  }
0x2a: {  	s31 =	sadd.s32 $0xFFFFFFFF, s11;
	s16 =	sshll.u32 @!p1 s16, $0xE;
	s14 =	ssub.s32 @!p1 s14, s15  }
0x2b: {  	s15 =	sand.u32 @!p1 $0x4000, s16;
	s16 =	sadd.s32 @!p1 s6, s17;
	s14 =	sshll.u32 @!p1 s14, $0x4  }
0x2c: {  	s17 =	simm.s32 @!p1 $0x3400;
	s14 =	sadd.s32 @!p1 s14, s16;
	s16 =	simm.s32 @!p1 $0x80  }
0x2d: {  	[tilespmem:s15], [sflag:$0x1] =	stream.strided.gather @!p1 [hbm4b:s14+s16], $0x4000, s17, s16, $0x38;
	[tilespmem:$0x10100] =	vst v63  }
0x2e: {  	p1 =	sge.u32 s31, s5  }
.Ltmp2:
0x2f: {  	_ = 	snop;
	(pc) =	sbr.rel @p1 .LBB1_5-.Ltmp2, $1  }
0x30: {  	_ =	sdelay $0x3  }
0x31: {  	s14 =	simm.s32 $0x1  }
0x32: {  	_ =	swait.ge [sflag:s4], $0x4000;
	s14 =	simm.s32 @!p0 $0x0  }
0x33: {  	[sflag:s4] =	ssyncset.done $0x0;
	s15 =	sshll.u32 s14, $0xE  }
0x34: {  	[sflag:s4] =	ssyncadd.s32 $0xFFFFC000;
	s17 =	sor.u32 $0x40, s15  }
0x35: {  	s14 =	smul.u32 $0x10200, s14;
	v0 =	vld [tilespmem:s17+$0x30]  }
0x36: {  	v3 =	vld [tilespmem:s17+$0xFFFFFFD0]  }
0x37: {  	s14 =	sshrl.u32 s14, $0x2;
	v4 =	vld [tilespmem:s17+$0xFFFFFFE0]  }
0x38: {  	v5 =	vld [tilespmem:s17+$0xFFFFFFF0];
	s15 =	sor.u32 $0x8000, s14  }
0x39: {  	s31 =	sand.u32 $0x1, s11;
	v1 =	vld [tilespmem:s17+$0x0];
	s16 =	sadd.s32 $0x0, s15  }
0x3a: {  	v2 =	vld [tilespmem:s17+$0x10];
	s14 =	smul.u32 $0x10200, s31;
	[tilespmem:s16+$0x3870 ss:$0x81] =	vst.msk $0xffff, v0  }
0x3b: {  	[tilespmem:s16+$0x810 ss:$0x81] =	vst.msk $0xffff, v3;
	v3 =	vld [tilespmem:s17+$0x20]  }
0x3c: {  	s14 =	sshrl.u32 s14, $0x2;
	v0 =	vld [tilespmem:s17+$0xFFFFFFC0];
	[tilespmem:s16+$0x1020 ss:$0x81] =	vst.msk $0xffff, v4;
	s17 =	sadd.s32 $0x80, s17  }
0x3d: {  	s18 =	simm.s32 $0x4;
	s19 =	simm.s32 $0x8;
	s14 =	sor.u32 $0x8000, s14;
	[tilespmem:s16+$0x1830 ss:$0x81] =	vst.msk $0xffff, v5;
	v4 =	vld [tilespmem:s17+$0x30]  }
.LBB1_3:
0x3e: {  	p1 =	sne.s32 s19, $0x1FC;
	v5 =	vld [tilespmem:s17+$0xFFFFFFD0];
	[tilespmem:s16+$0x2040 ss:$0x81] =	vst.msk $0xffff, v1  }
0x3f: {  	v6 =	vld [tilespmem:s17+$0xFFFFFFE0];
	[tilespmem:s16+$0x2850 ss:$0x81] =	vst.msk $0xffff, v2  }
0x40: {  	s20 =	sshra.s32 s18, $0x2;
	s18 =	smov.u32 s19;
	v7 =	vld [tilespmem:s17+$0xFFFFFFF0];
	[tilespmem:s16+$0x3060 ss:$0x81] =	vst.msk $0xffff, v3  }
.Ltmp3:
0x41: {  	v1 =	vld [tilespmem:s17+$0x0];
	[tilespmem:s16+$0x0 ss:$0x81] =	vst.msk $0xffff, v0;
	s16 =	sadd.s32 s20, s15;
	(pc) =	sbr.rel @p1 .LBB1_3-.Ltmp3, $4  }
0x42: {  	v2 =	vld [tilespmem:s17+$0x10];
	[tilespmem:s16+$0x3870 ss:$0x81] =	vst.msk $0xffff, v4  }
0x43: {  	[tilespmem:s16+$0x810 ss:$0x81] =	vst.msk $0xffff, v5;
	v3 =	vld [tilespmem:s17+$0x20]  }
0x44: {  	v0 =	vld [tilespmem:s17+$0xFFFFFFC0];
	[tilespmem:s16+$0x1020 ss:$0x81] =	vst.msk $0xffff, v6;
	s17 =	sadd.s32 $0x80, s17  }
0x45: {  	s19 =	sadd.s32 $0x4, s19;
	v4 =	vld [tilespmem:s17+$0x30];
	[tilespmem:s16+$0x1830 ss:$0x81] =	vst.msk $0xffff, v7  }
.Ltmp4:
0x46: {  	_ = 	snop;
	(pc) =	sbr.rel .LBB1_4-.Ltmp4, $1  }
0x47: {  	_ =	sdelay $0x3  }
.LBB1_6:
0x48: {  	_ =	sfence.sel $0x180000  }
0x49: {  	s2 =	simm.s32 $0x1;
	[bflag:$0x0] =	sbarrier.arrive $0xFFFF  }
0x4a: {  	s31 =	simm.s32 $0x2;
	[sflag:s2] =	ssyncpa.u1 $0x1  }
0x4b: {  	[sflag:s31] =	ssyncpa.u1 $0x1  }
0x4c: {  	p0 =	sne.s32 s0, $0x0;
	_ =	strace $0x9000004A  }
0x4d: {  	s0 =	sadd.s32 @!p0 $0x100000, s1;
	[bflag:$0x2] =	sbarrier.arrive $0xFFFF  }
0x4e: {  	[sflag:s0] =	ssyncadd.tile.s32 @!p0 $0x1;
	_ =	shalt  }
.Lfunc_end1:
_tile_overlayer_lowered:
.L_overlay_start_2:
0x4f: {  	(tag) =	ssettag $0x2  }
0x50: {  	s0 =	rddreg [dreg:$0x0];
	s2 =	stileid.u32  }
0x51: {  	s1 =	rddreg [dreg:$0x1];
	p0 =	sne.s32 s2, $0x0  }
0x52: {  	s3 =	rddreg [dreg:$0x2];
	[bflag:$0x3] =	sbarrier.arrive $0xFFFF;
	s2 =	simm.s32 @!p0 $0x1C01  }
0x53: {  	[timem:s3], [sflag:s2] =	dma.local @!p0 [hbm:s0], s1  }
0x54: {  	s0 =	simm.s32 @!p0 $0x1  }
0x55: {  	_ =	swait.ge @!p0 [sflag:s0], s1  }
0x56: {  	s1 =	ssub.s32 @!p0 $0x0, s1;
	[sflag:s0] =	ssyncset.done @!p0 $0x0  }
0x57: {  	[sflag:s0] =	ssyncadd.s32 @!p0 s1  }
0x58: {  	[bflag:$0x3] =	sbarrier.arrive $0xFFFF  }
0x59: {  	_ =	shalt  }

</sc_bundles>
